<compile_context>
chip_gen: v7x
topology: tpu7x:2x2x1
jax: 0.10.2.dev20260603
libtpu: 0.0.44.dev20260713+nightly
codegen_flags: <defaults>
</compile_context>

<pallas_src>
import functools

import jax
import jax.numpy as jnp
from jax import lax
from jax.experimental import pallas as pl
from jax.experimental.pallas import tpu as pltpu
from jax.experimental.pallas import tpu_sc as plsc

KN = 10
D = 16
NK = 1000000
NQ = 1024
G = 128
NB = 7936
KPAD = NB * G
NCHUNK = NB // 16
NW = 32
QPW = NQ // NW
GPS = 16
NEG = -3.0e38


def _a_body(q2x_ref, keys_ref, gm_ref, pack_ref):
    kb = keys_ref[...]
    q2x = q2x_ref[...]
    k2c = jnp.sum(kb * kb, axis=1, keepdims=True)
    st = lax.dot_general(kb, q2x, (((1,), (1,)), ((), ())),
                         preferred_element_type=jnp.float32)
    st = st - k2c
    sel = 2.0 * jnp.eye(16, dtype=jnp.float32)
    ktw = lax.dot_general(sel, kb, (((1,), (1,)), ((), ())),
                          precision=lax.Precision.HIGHEST,
                          preferred_element_type=jnp.float32)
    ktw = ktw.astype(jnp.bfloat16).astype(jnp.float32)
    negone = jnp.full((1, 1), -1.0, jnp.float32)
    nk2 = lax.dot_general(negone, k2c, (((1,), (1,)), ((), ())),
                          precision=lax.Precision.HIGHEST,
                          preferred_element_type=jnp.float32)
    for j in range(GPS):
        gm_ref[j, 0, :] = jnp.max(st[j * G:(j + 1) * G, :], axis=0)
        pack_ref[j, 0:16, :] = ktw[:, j * G:(j + 1) * G]
        pack_ref[j, 16:17, :] = nk2[:, j * G:(j + 1) * G]


def _run_a(qaug, keys_p):
    return pl.pallas_call(
        _a_body,
        grid=(NB // GPS,),
        in_specs=[
            pl.BlockSpec((NQ, 16), lambda i: (0, 0)),
            pl.BlockSpec((GPS * G, 16), lambda i: (i, 0)),
        ],
        out_specs=[
            pl.BlockSpec((GPS, 1, NQ), lambda i: (i, 0, 0)),
            pl.BlockSpec((GPS, 24, G), lambda i: (i, 0, 0)),
        ],
        out_shape=[
            jax.ShapeDtypeStruct((NB, 1, NQ), jnp.float32),
            jax.ShapeDtypeStruct((NB, 24, G), jnp.float32),
        ],
        compiler_params=pltpu.CompilerParams(
            dimension_semantics=("arbitrary",)),
    )(qaug, keys_p)


def _a2_body(gm_ref, gmt_ref):
    x = gm_ref[:, 0, :]
    eye = jnp.eye(128, dtype=jnp.float32)
    gmt_ref[...] = lax.dot_general(x, eye, (((0,), (0,)), ((), ())),
                                   precision=lax.Precision.HIGHEST,
                                   preferred_element_type=jnp.float32)


def _run_a2(gm):
    return pl.pallas_call(
        _a2_body,
        grid=(NB // 128,),
        in_specs=[pl.BlockSpec((128, 1, NQ), lambda i: (i, 0, 0))],
        out_specs=pl.BlockSpec((NQ, 128), lambda i: (0, i)),
        out_shape=jax.ShapeDtypeStruct((NQ, NB), jnp.float32),
        compiler_params=pltpu.CompilerParams(
            dimension_semantics=("arbitrary",)),
    )(gm)


def _merge_top16(rv, ri, v, idx):
    sv, si = plsc.sort_key_val(v, idx, descending=True)
    bv = lax.rev(sv, (0,))
    bi = lax.rev(si, (0,))
    keep = rv >= bv
    mv = jnp.where(keep, rv, bv)
    mi = jnp.where(keep, ri, bi)
    out = plsc.sort_key_val(mv, mi, descending=True)
    return out[0], out[1]


def _lane(vec, j):
    return jnp.max(jnp.where(lax.iota(jnp.int32, 16) == j, vec,
                             jnp.full((16,), NEG, vec.dtype)))


def _sc_body(gmt_hbm, pack_hbm, q_hbm, values_hbm, stacked_hbm,
             row_v, qv, gidx_v, packbuf, vidx_v, vrows, stackbuf,
             sem):
    wid = lax.axis_index("s") * 2 + lax.axis_index("c")

    def per_query(j, _):
        q = wid * QPW + j
        pltpu.sync_copy(gmt_hbm.at[q], row_v)
        pltpu.sync_copy(q_hbm.at[q], qv)

        def p1(c, carry):
            rv, ri, tmin = carry
            v = row_v[pl.ds(c * 16, 16)]
            idx = c * 16 + lax.iota(jnp.int32, 16)

            def m(args):
                rv2, ri2 = _merge_top16(args[0], args[1], v, idx)
                return rv2, ri2, jnp.min(rv2)

            return lax.cond(jnp.max(v) > tmin, m, lambda a: a, carry)

        rv0 = jnp.full((16,), NEG, jnp.float32)
        ri0 = jnp.zeros((16,), jnp.int32)
        rv, ri, _ = lax.fori_loop(0, NCHUNK, p1, (rv0, ri0, NEG))
        gidx_v[...] = ri
        tau0 = _lane(rv, 9) - 0.05

        pltpu.async_copy(pack_hbm.at[gidx_v.at[pl.ds(0, KN)]],
                         packbuf, sem).wait()
        qvec = qv[...]
        qs = [qvec[f] for f in range(16)]

        def p2(c2, carry):
            rv2, ri2, tau = carry
            g = c2 // (G // 16)
            cc = c2 % (G // 16)
            sl = pl.ds(cc * 16, 16)
            acc = packbuf[g, 16, sl]
            for f in range(16):
                acc = acc + qs[f] * packbuf[g, f, sl]
            gidvec = plsc.load_gather(
                gidx_v, [jnp.full((16,), g, jnp.int32)])
            kidx = gidvec * G + cc * 16 + lax.iota(jnp.int32, 16)

            def do_merge(args):
                rv3, ri3 = _merge_top16(args[0], args[1], acc, kidx)
                return rv3, ri3, _lane(rv3, 9)

            return lax.cond(jnp.max(acc) > tau, do_merge,
                            lambda args: args, (rv2, ri2, tau))

        rv2, ri2, _ = lax.fori_loop(0, KN * (G // 16), p2, (rv0, ri0, tau0))

        lanes = lax.iota(jnp.int32, 16)
        e = jnp.exp(rv2 - jnp.max(rv2))
        e = jnp.where(lanes < KN, e, 0.0)
        wn = e / jnp.sum(e)
        vidx_v[...] = ri2 // 8
        pltpu.async_copy(values_hbm.at[vidx_v], vrows, sem).wait()
        for k in range(KN):
            off = (ri2[k] % 8) * 16
            stackbuf[pl.ds(k * 16, 16)] = wn[k] * vrows[k, pl.ds(off, 16)]
        pltpu.sync_copy(stackbuf, stacked_hbm.at[q])
        return 0

    lax.fori_loop(0, QPW, per_query, 0)


def _run_sc(gmt, pack, queries, values):
    mesh = plsc.VectorSubcoreMesh(core_axis_name="c", subcore_axis_name="s")
    f = functools.partial(
        pl.kernel, _sc_body, mesh=mesh,
        compiler_params=pltpu.CompilerParams(needs_layout_passes=False),
        out_type=jax.ShapeDtypeStruct((NQ, KN * D), jnp.float32),
        scratch_types=[
            pltpu.VMEM((NB,), jnp.float32),
            pltpu.VMEM((16,), jnp.float32),
            pltpu.VMEM((16,), jnp.int32),
            pltpu.VMEM((KN, 24, G), jnp.float32),
            pltpu.VMEM((16,), jnp.int32),
            pltpu.VMEM((16, 128), jnp.float32),
            pltpu.VMEM((KN * 16,), jnp.float32),
            pltpu.SemaphoreType.DMA,
        ],
    )()
    return f(gmt, pack, queries, values)


def _d_body(q_ref, s_ref, w_ref, o_ref):
    o_ref[...] = q_ref[...] + jnp.dot(s_ref[...], w_ref[...],
                                      preferred_element_type=jnp.float32)


def _run_d(queries, stacked, W):
    return pl.pallas_call(
        _d_body,
        out_shape=jax.ShapeDtypeStruct((NQ, D), jnp.float32),
    )(queries, stacked, W)


def kernel(queries, keys, values, W):
    keys_p = jnp.pad(keys, ((0, KPAD - NK), (0, 0)), constant_values=100.0)
    qaug = 2.0 * queries
    qr = queries.astype(jnp.bfloat16).astype(jnp.float32)
    gm, pack = _run_a(qaug, keys_p)
    gmt = _run_a2(gm)
    stacked = _run_sc(gmt, pack, qr, values.reshape(NK // 8, 128))
    return _run_d(queries, stacked, W)

# --- scband reference (transcript-rebuilt; emitter-appended) ---
"""Pipeline reference for scband-non-local-stack-25391846654138 (READ-ONLY COPY).

The authoritative reference and input builder live on the scoring server;
editing this copy changes nothing except your own understanding.
"""

import jax, jax.numpy as jnp
import numpy as np

K_NEIGH = 10
N_FEATS = 16
N_KEYS = 1000000
N_QUERIES = 1024


def setup_inputs(seed: int = 0) -> dict:
    key = jax.random.key(seed)
    k1, k2, k3, k4 = jax.random.split(key, 4)
    queries = jax.random.normal(k1, (N_QUERIES, N_FEATS), dtype=jnp.float32)
    keys = jax.random.normal(k2, (N_KEYS, N_FEATS), dtype=jnp.float32)
    values = jax.random.normal(k3, (N_KEYS, N_FEATS), dtype=jnp.float32)
    # feat_extract projection over the k stacked neighbor features (k*n_feats -> n_feats)
    W = jax.random.normal(k4, (K_NEIGH * N_FEATS, N_FEATS), dtype=jnp.float32) * 0.02
    return {"queries": queries, "keys": keys, "values": values, "W": W}


def reference(queries, keys, values, W):
    # run_search: negative squared L2 distance between each query and every key
    q2 = jnp.sum(queries * queries, axis=-1, keepdims=True)  # [Q, 1]
    k2 = jnp.sum(keys * keys, axis=-1)                        # [K]
    dists = -(q2 - 2.0 * (queries @ keys.T) + k2[None, :])    # [Q, K]
    top_d, top_i = jax.lax.top_k(dists, K_NEIGH)              # [Q, k]
    # normz: softmax normalization of the k retained similarities
    w = jax.nn.softmax(top_d, axis=-1)                        # [Q, k]
    # agg/stacking: gather neighbor values, weight, and stack along feature dim
    neigh_v = jnp.take(values, top_i, axis=0)                 # [Q, k, d]
    stacked = (w[..., None] * neigh_v).reshape(queries.shape[0], K_NEIGH * N_FEATS)
    # feat_extract + residual: vid = vid + feat_extract(stacked)
    out = queries + stacked @ W                               # [Q, d]
    return out

if __name__ == "__main__":
    import jax
    _d = setup_inputs()
    print(jax.jit(kernel)(*tuple(_d.values())))

</pallas_src>

<mosaic_0001>
#map = affine_map<(d0, d1) -> (0, 0)>
#map1 = affine_map<(d0, d1) -> (0, 0, 0)>
module attributes {stable_mosaic.version = 14 : i64} {
  func.func @_sc_body(%arg0: i32, %arg1: i32, %arg2: memref<1024x7936xf32, #tpu.memory_space<hbm>>, %arg3: memref<7936x24x128xf32, #tpu.memory_space<hbm>>, %arg4: memref<1024x16xf32, #tpu.memory_space<hbm>>, %arg5: memref<125000x128xf32, #tpu.memory_space<hbm>>, %arg6: memref<1024x160xf32, #tpu.memory_space<hbm>>, %arg7: memref<7936xf32, #tpu.memory_space<vmem>>, %arg8: memref<16xf32, #tpu.memory_space<vmem>>, %arg9: memref<16xi32, #tpu.memory_space<vmem>>, %arg10: memref<10x24x128xf32, #tpu.memory_space<vmem>>, %arg11: memref<16xi32, #tpu.memory_space<vmem>>, %arg12: memref<16x128xf32, #tpu.memory_space<vmem>>, %arg13: memref<160xf32, #tpu.memory_space<vmem>>, %arg14: memref<!tpu.dma_semaphore, #tpu.memory_space<semaphore_mem>>) attributes {dimension_semantics = [#tpu.dimension_semantics<core_parallel>, #tpu.dimension_semantics<subcore_parallel>], iteration_bounds = array<i64: 2, 16>, scalar_prefetch = 0 : i64, scratch_operands = 8 : i64, tpu.core_type = #tpu.core_type<sc_vector_subcore>, window_params = [{transform_indices = #map}, {transform_indices = #map1}, {transform_indices = #map}, {transform_indices = #map}, {transform_indices = #map}]} {
    %mul3A = arith.constant 2 : i32
    %mul3A_0 = arith.muli %arg1, %mul3A : i32
    %add3A = arith.addi %mul3A_0, %arg0 : i32
    %scan3A = arith.constant 0 : i32
    %scan3A_1 = arith.constant 0 : i32
    %scan3A_2 = arith.constant 32 : i32
    %scan3A_3 = arith.addi %scan3A_1, %scan3A_2 : i32
    %scan3A_4 = arith.constant 1 : i32
    %scan3A_5 = scf.for %scan3A_7 = %scan3A_1 to %scan3A_3 step %scan3A_4 iter_args(%scan3A_8 = %scan3A) -> (i32)  : i32 {
      %mul3A_9 = arith.constant 32 : i32
      %mul3A_10 = arith.muli %add3A, %mul3A_9 : i32
      %add3A_11 = arith.addi %mul3A_10, %scan3A_7 : i32
      "tpu.region"() ({
        %run_scoped3A = tpu.sem_alloc : memref<!tpu.dma_semaphore, #tpu.memory_space<semaphore_mem>>
        %dma_start3A_429 = arith.constant 0 : i32
        %dma_start3A_430 = tpu.memref_slice %arg2[%add3A_11, %dma_start3A_429] : memref<1024x7936xf32, #tpu.memory_space<hbm>> -> memref<1x7936xf32, #tpu.memory_space<hbm>>
        %dma_start3A_431 = tpu.memref_squeeze %dma_start3A_430 : memref<1x7936xf32, #tpu.memory_space<hbm>> -> memref<7936xf32, #tpu.memory_space<hbm>>
        %dma_start3A_432 = arith.constant 0 : i32
        %dma_start3A_433 = tpu.memref_slice %arg2[%add3A_11, %dma_start3A_432] : memref<1024x7936xf32, #tpu.memory_space<hbm>> -> memref<1x7936xf32, #tpu.memory_space<hbm>>
        %dma_start3A_434 = tpu.memref_squeeze %dma_start3A_433 : memref<1x7936xf32, #tpu.memory_space<hbm>> -> memref<7936xf32, #tpu.memory_space<hbm>>
        tpu.enqueue_dma source(%dma_start3A_434 : memref<7936xf32, #tpu.memory_space<hbm>>) target(%arg7 : memref<7936xf32, #tpu.memory_space<vmem>>) target_semaphore(%run_scoped3A : memref<!tpu.dma_semaphore, #tpu.memory_space<semaphore_mem>>)
        %dma_wait3A_435 = arith.constant 0 : i32
        %dma_wait3A_436 = tpu.memref_slice %arg2[%add3A_11, %dma_wait3A_435] : memref<1024x7936xf32, #tpu.memory_space<hbm>> -> memref<1x7936xf32, #tpu.memory_space<hbm>>
        %dma_wait3A_437 = tpu.memref_squeeze %dma_wait3A_436 : memref<1x7936xf32, #tpu.memory_space<hbm>> -> memref<7936xf32, #tpu.memory_space<hbm>>
        %dma_wait3A_438 = arith.constant 0 : i32
        %dma_wait3A_439 = tpu.memref_slice %arg2[%add3A_11, %dma_wait3A_438] : memref<1024x7936xf32, #tpu.memory_space<hbm>> -> memref<1x7936xf32, #tpu.memory_space<hbm>>
        %dma_wait3A_440 = tpu.memref_squeeze %dma_wait3A_439 : memref<1x7936xf32, #tpu.memory_space<hbm>> -> memref<7936xf32, #tpu.memory_space<hbm>>
        tpu.wait_dma2 semaphore(%run_scoped3A : memref<!tpu.dma_semaphore, #tpu.memory_space<semaphore_mem>>) src(%dma_wait3A_440 : memref<7936xf32, #tpu.memory_space<hbm>>) dst(%arg7 : memref<7936xf32, #tpu.memory_space<vmem>>)
        tpu.yield
      }) : () -> ()
      "tpu.region"() ({
        %run_scoped3A = tpu.sem_alloc : memref<!tpu.dma_semaphore, #tpu.memory_space<semaphore_mem>>
        %dma_start3A_429 = arith.constant 0 : i32
        %dma_start3A_430 = tpu.memref_slice %arg4[%add3A_11, %dma_start3A_429] : memref<1024x16xf32, #tpu.memory_space<hbm>> -> memref<1x16xf32, #tpu.memory_space<hbm>>
        %dma_start3A_431 = tpu.memref_squeeze %dma_start3A_430 : memref<1x16xf32, #tpu.memory_space<hbm>> -> memref<16xf32, #tpu.memory_space<hbm>>
        %dma_start3A_432 = arith.constant 0 : i32
        %dma_start3A_433 = tpu.memref_slice %arg4[%add3A_11, %dma_start3A_432] : memref<1024x16xf32, #tpu.memory_space<hbm>> -> memref<1x16xf32, #tpu.memory_space<hbm>>
        %dma_start3A_434 = tpu.memref_squeeze %dma_start3A_433 : memref<1x16xf32, #tpu.memory_space<hbm>> -> memref<16xf32, #tpu.memory_space<hbm>>
        tpu.enqueue_dma source(%dma_start3A_434 : memref<16xf32, #tpu.memory_space<hbm>>) target(%arg8 : memref<16xf32, #tpu.memory_space<vmem>>) target_semaphore(%run_scoped3A : memref<!tpu.dma_semaphore, #tpu.memory_space<semaphore_mem>>)
        %dma_wait3A_435 = arith.constant 0 : i32
        %dma_wait3A_436 = tpu.memref_slice %arg4[%add3A_11, %dma_wait3A_435] : memref<1024x16xf32, #tpu.memory_space<hbm>> -> memref<1x16xf32, #tpu.memory_space<hbm>>
        %dma_wait3A_437 = tpu.memref_squeeze %dma_wait3A_436 : memref<1x16xf32, #tpu.memory_space<hbm>> -> memref<16xf32, #tpu.memory_space<hbm>>
        %dma_wait3A_438 = arith.constant 0 : i32
        %dma_wait3A_439 = tpu.memref_slice %arg4[%add3A_11, %dma_wait3A_438] : memref<1024x16xf32, #tpu.memory_space<hbm>> -> memref<1x16xf32, #tpu.memory_space<hbm>>
        %dma_wait3A_440 = tpu.memref_squeeze %dma_wait3A_439 : memref<1x16xf32, #tpu.memory_space<hbm>> -> memref<16xf32, #tpu.memory_space<hbm>>
        tpu.wait_dma2 semaphore(%run_scoped3A : memref<!tpu.dma_semaphore, #tpu.memory_space<semaphore_mem>>) src(%dma_wait3A_440 : memref<16xf32, #tpu.memory_space<hbm>>) dst(%arg8 : memref<16xf32, #tpu.memory_space<vmem>>)
        tpu.yield
      }) : () -> ()
      %broadcast_in_dim3A = arith.constant -3.000000e+38 : f32
      %broadcast_in_dim3A_12 = vector.broadcast %broadcast_in_dim3A : f32 to vector<16xf32>
      %broadcast_in_dim3A_13 = arith.constant 0 : i32
      %broadcast_in_dim3A_14 = vector.broadcast %broadcast_in_dim3A_13 : i32 to vector<16xi32>
      %scan3A_15 = arith.constant -3.000000e+38 : f32
      %scan3A_16 = arith.constant 0 : i32
      %scan3A_17 = arith.constant 496 : i32
      %scan3A_18 = arith.addi %scan3A_16, %scan3A_17 : i32
      %scan3A_19 = arith.constant 1 : i32
      %scan3A_20:3 = scf.for %scan3A_429 = %scan3A_16 to %scan3A_18 step %scan3A_19 iter_args(%scan3A_430 = %broadcast_in_dim3A_12, %scan3A_431 = %broadcast_in_dim3A_14, %scan3A_432 = %scan3A_15) -> (vector<16xf32>, vector<16xi32>, f32)  : i32 {
        %mul3A_433 = arith.constant 16 : i32
        %mul3A_434 = arith.muli %scan3A_429, %mul3A_433 : i32
        %get3A_435 = arith.index_cast %mul3A_434 : i32 to index
        %get3A_436 = tpu.vector_load %arg7[%get3A_435] {strides = array<i32>} : memref<7936xf32, #tpu.memory_space<vmem>>, vector<16xf32>,
        %mul3A_437 = arith.constant 16 : i32
        %mul3A_438 = arith.muli %scan3A_429, %mul3A_437 : i32
        %iota3A_439 = tpu.iota {dimensions = array<i32: 0>} : vector<16xi32>
        %add3A_440 = vector.broadcast %mul3A_438 : i32 to vector<16xi32>
        %add3A_441 = arith.addi %add3A_440, %iota3A_439 : vector<16xi32>
        %reduce_max3A_442 = arith.constant true
        %reduce_max3A_443 = vector.broadcast %reduce_max3A_442 : i1 to vector<16xi1>
        %reduce_max3A_444 = tpu.scan <max>, %get3A_436 masked %reduce_max3A_443 : vector<16xf32>, vector<16xi1> -> vector<16xf32>
        %reduce_max3A_445 = vector.extract %reduce_max3A_444[15] : f32 from vector<16xf32>
        %gt3A = arith.cmpf ogt, %reduce_max3A_445, %scan3A_432 : f32
        %convert_element_type3A = arith.extui %gt3A : i1 to i32
        %cond3A = arith.constant 0 : i32
        %cond3A_446 = arith.cmpi ne, %convert_element_type3A, %cond3A : i32
        %cond3A_447:3 = scf.if %cond3A_446 -> (vector<16xf32>, vector<16xi32>, f32) {
          %masked_sort3A = arith.constant dense<true> : vector<16xi1>
          %masked_sort3A_448, %masked_sort3A_449, %masked_sort3A_450 = tpu.sort %get3A_436, %add3A_441 masked %masked_sort3A {descending = true} : (vector<16xf32>, vector<16xi32>, vector<16xi1>) -> (vector<16xi1>, vector<16xf32>, vector<16xi32>)
          %rev3A = arith.constant 15 : i32
          %rev3A_451 = vector.broadcast %rev3A : i32 to vector<16xi32>
          %rev3A_452 = tpu.iota {dimensions = array<i32: 0>} : vector<16xi32>
          %rev3A_453 = arith.subi %rev3A_451, %rev3A_452 : vector<16xi32>
          %rev3A_454 = tpu.dynamic_gather %masked_sort3A_449[%rev3A_453] in [0] : vector<16xf32>, vector<16xi32> -> vector<16xf32>
          %rev3A_455 = arith.constant 15 : i32
          %rev3A_456 = vector.broadcast %rev3A_455 : i32 to vector<16xi32>
          %rev3A_457 = tpu.iota {dimensions = array<i32: 0>} : vector<16xi32>
          %rev3A_458 = arith.subi %rev3A_456, %rev3A_457 : vector<16xi32>
          %rev3A_459 = tpu.dynamic_gather %masked_sort3A_450[%rev3A_458] in [0] : vector<16xi32>, vector<16xi32> -> vector<16xi32>
          %ge3A = arith.cmpf oge, %scan3A_430, %rev3A_454 : vector<16xf32>
          %select_n3A_460 = arith.select %ge3A, %scan3A_430, %rev3A_454 : vector<16xi1>, vector<16xf32>
          %select_n3A_461 = arith.select %ge3A, %scan3A_431, %rev3A_459 : vector<16xi1>, vector<16xi32>
          %masked_sort3A_462 = arith.constant dense<true> : vector<16xi1>
          %masked_sort3A_463, %masked_sort3A_464, %masked_sort3A_465 = tpu.sort %select_n3A_460, %select_n3A_461 masked %masked_sort3A_462 {descending = true} : (vector<16xf32>, vector<16xi32>, vector<16xi1>) -> (vector<16xi1>, vector<16xf32>, vector<16xi32>)
          %reduce_min3A = arith.constant true
          %reduce_min3A_466 = vector.broadcast %reduce_min3A : i1 to vector<16xi1>
          %reduce_min3A_467 = tpu.scan <min>, %masked_sort3A_464 masked %reduce_min3A_466 : vector<16xf32>, vector<16xi1> -> vector<16xf32>
          %reduce_min3A_468 = vector.extract %reduce_min3A_467[15] : f32 from vector<16xf32>
          scf.yield %masked_sort3A_464, %masked_sort3A_465, %reduce_min3A_468 : vector<16xf32>, vector<16xi32>, f32
        } else {
          scf.yield %scan3A_430, %scan3A_431, %scan3A_432 : vector<16xf32>, vector<16xi32>, f32
        }
        scf.yield %cond3A_447#0, %cond3A_447#1, %cond3A_447#2 : vector<16xf32>, vector<16xi32>, f32
      }
      %scan3A_21 = arith.constant 496 : i32
      %swap3A = arith.constant 0 : index
      %swap3A_22 = tpu.vector_load %arg9[%swap3A] {strides = array<i32>} : memref<16xi32, #tpu.memory_space<vmem>>, vector<16xi32>,
      tpu.vector_store %arg9[%swap3A], %scan3A_20#1 {strides = array<i32>} : memref<16xi32, #tpu.memory_space<vmem>>, vector<16xi32>,
      %iota3A = tpu.iota {dimensions = array<i32: 0>} : vector<16xi32>
      %eq3A = arith.constant 9 : i32
      %eq3A_23 = vector.broadcast %eq3A : i32 to vector<16xi32>
      %eq3A_24 = arith.cmpi eq, %iota3A, %eq3A_23 : vector<16xi32>
      %broadcast_in_dim3A_25 = arith.constant -3.000000e+38 : f32
      %broadcast_in_dim3A_26 = vector.broadcast %broadcast_in_dim3A_25 : f32 to vector<16xf32>
      %select_n3A = arith.select %eq3A_24, %scan3A_20#0, %broadcast_in_dim3A_26 : vector<16xi1>, vector<16xf32>
      %reduce_max3A = arith.constant true
      %reduce_max3A_27 = vector.broadcast %reduce_max3A : i1 to vector<16xi1>
      %reduce_max3A_28 = tpu.scan <max>, %select_n3A masked %reduce_max3A_27 : vector<16xf32>, vector<16xi1> -> vector<16xf32>
      %reduce_max3A_29 = vector.extract %reduce_max3A_28[15] : f32 from vector<16xf32>
      %sub3A = arith.constant 5.000000e-02 : f32
      %sub3A_30 = arith.subf %reduce_max3A_29, %sub3A : f32
      %dma_start3A = arith.constant 0 : i32
      %dma_start3A_31 = tpu.memref_slice %arg9[%dma_start3A] : memref<16xi32, #tpu.memory_space<vmem>> -> memref<10xi32, #tpu.memory_space<vmem>>
      %dma_start3A_32 = arith.constant 0 : i32
      %dma_start3A_33 = arith.constant 0 : i32
      %dma_start3A_34 = arith.constant 0 : i32
      %dma_start3A_35 = tpu.memref_slice %arg3[%dma_start3A_32, %dma_start3A_33, %dma_start3A_34] : memref<7936x24x128xf32, #tpu.memory_space<hbm>> -> memref<7936x24x128xf32, #tpu.memory_space<hbm>>
      tpu.enqueue_indirect_dma source(%dma_start3A_35 : memref<7936x24x128xf32, #tpu.memory_space<hbm>>) target(%arg10 : memref<10x24x128xf32, #tpu.memory_space<vmem>>) offsets(%dma_start3A_31 : memref<10xi32, #tpu.memory_space<vmem>>) semaphore(%arg14 : memref<!tpu.dma_semaphore, #tpu.memory_space<semaphore_mem>>)
      %dma_wait3A = arith.constant 0 : i32
      %dma_wait3A_36 = tpu.memref_slice %arg9[%dma_wait3A] : memref<16xi32, #tpu.memory_space<vmem>> -> memref<10xi32, #tpu.memory_space<vmem>>
      %dma_wait3A_37 = arith.constant 0 : i32
      %dma_wait3A_38 = arith.constant 0 : i32
      %dma_wait3A_39 = arith.constant 0 : i32
      %dma_wait3A_40 = tpu.memref_slice %arg3[%dma_wait3A_37, %dma_wait3A_38, %dma_wait3A_39] : memref<7936x24x128xf32, #tpu.memory_space<hbm>> -> memref<7936x24x128xf32, #tpu.memory_space<hbm>>
      tpu.wait_indirect_dma semaphore(%arg14 : memref<!tpu.dma_semaphore, #tpu.memory_space<semaphore_mem>>) src(%dma_wait3A_40 : memref<7936x24x128xf32, #tpu.memory_space<hbm>>) dst(%arg10 : memref<10x24x128xf32, #tpu.memory_space<vmem>>)
      %get3A = arith.constant 0 : index
      %get3A_41 = tpu.vector_load %arg8[%get3A] {strides = array<i32>} : memref<16xf32, #tpu.memory_space<vmem>>, vector<16xf32>,
      %slice3A = vector.extract_strided_slice %get3A_41 {offsets = [0], sizes = [1], strides = [1]} : vector<16xf32> to vector<1xf32>
      %squeeze3A = vector.extract %slice3A[0] : f32 from vector<1xf32>
      %slice3A_42 = vector.extract_strided_slice %get3A_41 {offsets = [1], sizes = [1], strides = [1]} : vector<16xf32> to vector<1xf32>
      %squeeze3A_43 = vector.extract %slice3A_42[0] : f32 from vector<1xf32>
      %slice3A_44 = vector.extract_strided_slice %get3A_41 {offsets = [2], sizes = [1], strides = [1]} : vector<16xf32> to vector<1xf32>
      %squeeze3A_45 = vector.extract %slice3A_44[0] : f32 from vector<1xf32>
      %slice3A_46 = vector.extract_strided_slice %get3A_41 {offsets = [3], sizes = [1], strides = [1]} : vector<16xf32> to vector<1xf32>
      %squeeze3A_47 = vector.extract %slice3A_46[0] : f32 from vector<1xf32>
      %slice3A_48 = vector.extract_strided_slice %get3A_41 {offsets = [4], sizes = [1], strides = [1]} : vector<16xf32> to vector<1xf32>
      %squeeze3A_49 = vector.extract %slice3A_48[0] : f32 from vector<1xf32>
      %slice3A_50 = vector.extract_strided_slice %get3A_41 {offsets = [5], sizes = [1], strides = [1]} : vector<16xf32> to vector<1xf32>
      %squeeze3A_51 = vector.extract %slice3A_50[0] : f32 from vector<1xf32>
      %slice3A_52 = vector.extract_strided_slice %get3A_41 {offsets = [6], sizes = [1], strides = [1]} : vector<16xf32> to vector<1xf32>
      %squeeze3A_53 = vector.extract %slice3A_52[0] : f32 from vector<1xf32>
      %slice3A_54 = vector.extract_strided_slice %get3A_41 {offsets = [7], sizes = [1], strides = [1]} : vector<16xf32> to vector<1xf32>
      %squeeze3A_55 = vector.extract %slice3A_54[0] : f32 from vector<1xf32>
      %slice3A_56 = vector.extract_strided_slice %get3A_41 {offsets = [8], sizes = [1], strides = [1]} : vector<16xf32> to vector<1xf32>
      %squeeze3A_57 = vector.extract %slice3A_56[0] : f32 from vector<1xf32>
      %slice3A_58 = vector.extract_strided_slice %get3A_41 {offsets = [9], sizes = [1], strides = [1]} : vector<16xf32> to vector<1xf32>
      %squeeze3A_59 = vector.extract %slice3A_58[0] : f32 from vector<1xf32>
      %slice3A_60 = vector.extract_strided_slice %get3A_41 {offsets = [10], sizes = [1], strides = [1]} : vector<16xf32> to vector<1xf32>
      %squeeze3A_61 = vector.extract %slice3A_60[0] : f32 from vector<1xf32>
      %slice3A_62 = vector.extract_strided_slice %get3A_41 {offsets = [11], sizes = [1], strides = [1]} : vector<16xf32> to vector<1xf32>
      %squeeze3A_63 = vector.extract %slice3A_62[0] : f32 from vector<1xf32>
      %slice3A_64 = vector.extract_strided_slice %get3A_41 {offsets = [12], sizes = [1], strides = [1]} : vector<16xf32> to vector<1xf32>
      %squeeze3A_65 = vector.extract %slice3A_64[0] : f32 from vector<1xf32>
      %slice3A_66 = vector.extract_strided_slice %get3A_41 {offsets = [13], sizes = [1], strides = [1]} : vector<16xf32> to vector<1xf32>
      %squeeze3A_67 = vector.extract %slice3A_66[0] : f32 from vector<1xf32>
      %slice3A_68 = vector.extract_strided_slice %get3A_41 {offsets = [14], sizes = [1], strides = [1]} : vector<16xf32> to vector<1xf32>
      %squeeze3A_69 = vector.extract %slice3A_68[0] : f32 from vector<1xf32>
      %slice3A_70 = vector.extract_strided_slice %get3A_41 {offsets = [15], sizes = [1], strides = [1]} : vector<16xf32> to vector<1xf32>
      %squeeze3A_71 = vector.extract %slice3A_70[0] : f32 from vector<1xf32>
      %scan3A_72 = arith.constant 0 : i32
      %scan3A_73 = arith.constant 80 : i32
      %scan3A_74 = arith.addi %scan3A_72, %scan3A_73 : i32
      %scan3A_75 = arith.constant 1 : i32
      %scan3A_76:3 = scf.for %scan3A_429 = %scan3A_72 to %scan3A_74 step %scan3A_75 iter_args(%scan3A_430 = %broadcast_in_dim3A_12, %scan3A_431 = %broadcast_in_dim3A_14, %scan3A_432 = %sub3A_30) -> (vector<16xf32>, vector<16xi32>, f32)  : i32 {
        %jit3A_433 = arith.constant 8 : i32
        %div3A_434 = arith.divsi %scan3A_429, %jit3A_433 : i32
        %sign3A_435 = arith.constant 0 : i32
        %sign3A_436 = arith.cmpi sgt, %scan3A_429, %sign3A_435 : i32
        %sign3A_437 = arith.extui %sign3A_436 : i1 to i32
        %sign3A_438 = arith.constant 0 : i32
        %sign3A_439 = arith.cmpi slt, %scan3A_429, %sign3A_438 : i32
        %sign3A_440 = arith.extui %sign3A_439 : i1 to i32
        %sign3A_441 = arith.subi %sign3A_437, %sign3A_440 : i32
        %sign3A_442 = arith.constant 0 : i32
        %sign3A_443 = arith.cmpi sgt, %jit3A_433, %sign3A_442 : i32
        %sign3A_444 = arith.extui %sign3A_443 : i1 to i32
        %sign3A_445 = arith.constant 0 : i32
        %sign3A_446 = arith.cmpi slt, %jit3A_433, %sign3A_445 : i32
        %sign3A_447 = arith.extui %sign3A_446 : i1 to i32
        %sign3A_448 = arith.subi %sign3A_444, %sign3A_447 : i32
        %ne3A_449 = arith.cmpi ne, %sign3A_441, %sign3A_448 : i32
        %rem3A_450 = arith.remsi %scan3A_429, %jit3A_433 : i32
        %ne3A_451 = arith.constant 0 : i32
        %ne3A_452 = arith.cmpi ne, %rem3A_450, %ne3A_451 : i32
        %and3A_453 = arith.andi %ne3A_449, %ne3A_452 : i1
        %sub3A_454 = arith.constant 1 : i32
        %sub3A_455 = arith.subi %div3A_434, %sub3A_454 : i32
        %select_n3A_456 = arith.select %and3A_453, %sub3A_455, %div3A_434 : i32
        %jit3A_457 = arith.constant 8 : i32
        %eq3A_458 = arith.constant 0 : i32
        %eq3A_459 = arith.cmpi eq, %jit3A_457, %eq3A_458 : i32
        %jit3A_460 = arith.constant 1 : i32
        %select_n3A_461 = arith.select %eq3A_459, %jit3A_460, %jit3A_457 : i32
        %rem3A_462 = arith.remsi %scan3A_429, %select_n3A_461 : i32
        %ne3A_463 = arith.constant 0 : i32
        %ne3A_464 = arith.cmpi ne, %rem3A_462, %ne3A_463 : i32
        %lt3A_465 = arith.constant 0 : i32
        %lt3A_466 = arith.cmpi slt, %rem3A_462, %lt3A_465 : i32
        %lt3A_467 = arith.constant 0 : i32
        %lt3A_468 = arith.cmpi slt, %select_n3A_461, %lt3A_467 : i32
        %ne3A_469 = arith.xori %lt3A_466, %lt3A_468 : i1
        %and3A_470 = arith.andi %ne3A_469, %ne3A_464 : i1
        %add3A_471 = arith.addi %rem3A_462, %select_n3A_461 : i32
        %select_n3A_472 = arith.select %and3A_470, %add3A_471, %rem3A_462 : i32
        %mul3A_473 = arith.constant 16 : i32
        %mul3A_474 = arith.muli %select_n3A_472, %mul3A_473 : i32
        %get3A_475 = arith.constant 16 : i32
        %get3A_476 = arith.index_cast %select_n3A_456 : i32 to index
        %get3A_477 = arith.index_cast %get3A_475 : i32 to index
        %get3A_478 = arith.index_cast %mul3A_474 : i32 to index
        %get3A_479 = tpu.vector_load %arg10[%get3A_476, %get3A_477, %get3A_478] {strides = array<i32>} : memref<10x24x128xf32, #tpu.memory_space<vmem>>, vector<16xf32>,
        %get3A_480 = arith.constant 0 : i32
        %get3A_481 = arith.index_cast %select_n3A_456 : i32 to index
        %get3A_482 = arith.index_cast %get3A_480 : i32 to index
        %get3A_483 = arith.index_cast %mul3A_474 : i32 to index
        %get3A_484 = tpu.vector_load %arg10[%get3A_481, %get3A_482, %get3A_483] {strides = array<i32>} : memref<10x24x128xf32, #tpu.memory_space<vmem>>, vector<16xf32>,
        %mul3A_485 = vector.broadcast %squeeze3A : f32 to vector<16xf32>
        %mul3A_486 = arith.mulf %mul3A_485, %get3A_484 : vector<16xf32>
        %add3A_487 = arith.addf %get3A_479, %mul3A_486 : vector<16xf32>
        %get3A_488 = arith.constant 1 : i32
        %get3A_489 = arith.index_cast %select_n3A_456 : i32 to index
        %get3A_490 = arith.index_cast %get3A_488 : i32 to index
        %get3A_491 = arith.index_cast %mul3A_474 : i32 to index
        %get3A_492 = tpu.vector_load %arg10[%get3A_489, %get3A_490, %get3A_491] {strides = array<i32>} : memref<10x24x128xf32, #tpu.memory_space<vmem>>, vector<16xf32>,
        %mul3A_493 = vector.broadcast %squeeze3A_43 : f32 to vector<16xf32>
        %mul3A_494 = arith.mulf %mul3A_493, %get3A_492 : vector<16xf32>
        %add3A_495 = arith.addf %add3A_487, %mul3A_494 : vector<16xf32>
        %get3A_496 = arith.constant 2 : i32
        %get3A_497 = arith.index_cast %select_n3A_456 : i32 to index
        %get3A_498 = arith.index_cast %get3A_496 : i32 to index
        %get3A_499 = arith.index_cast %mul3A_474 : i32 to index
        %get3A_500 = tpu.vector_load %arg10[%get3A_497, %get3A_498, %get3A_499] {strides = array<i32>} : memref<10x24x128xf32, #tpu.memory_space<vmem>>, vector<16xf32>,
        %mul3A_501 = vector.broadcast %squeeze3A_45 : f32 to vector<16xf32>
        %mul3A_502 = arith.mulf %mul3A_501, %get3A_500 : vector<16xf32>
        %add3A_503 = arith.addf %add3A_495, %mul3A_502 : vector<16xf32>
        %get3A_504 = arith.constant 3 : i32
        %get3A_505 = arith.index_cast %select_n3A_456 : i32 to index
        %get3A_506 = arith.index_cast %get3A_504 : i32 to index
        %get3A_507 = arith.index_cast %mul3A_474 : i32 to index
        %get3A_508 = tpu.vector_load %arg10[%get3A_505, %get3A_506, %get3A_507] {strides = array<i32>} : memref<10x24x128xf32, #tpu.memory_space<vmem>>, vector<16xf32>,
        %mul3A_509 = vector.broadcast %squeeze3A_47 : f32 to vector<16xf32>
        %mul3A_510 = arith.mulf %mul3A_509, %get3A_508 : vector<16xf32>
        %add3A_511 = arith.addf %add3A_503, %mul3A_510 : vector<16xf32>
        %get3A_512 = arith.constant 4 : i32
        %get3A_513 = arith.index_cast %select_n3A_456 : i32 to index
        %get3A_514 = arith.index_cast %get3A_512 : i32 to index
        %get3A_515 = arith.index_cast %mul3A_474 : i32 to index
        %get3A_516 = tpu.vector_load %arg10[%get3A_513, %get3A_514, %get3A_515] {strides = array<i32>} : memref<10x24x128xf32, #tpu.memory_space<vmem>>, vector<16xf32>,
        %mul3A_517 = vector.broadcast %squeeze3A_49 : f32 to vector<16xf32>
        %mul3A_518 = arith.mulf %mul3A_517, %get3A_516 : vector<16xf32>
        %add3A_519 = arith.addf %add3A_511, %mul3A_518 : vector<16xf32>
        %get3A_520 = arith.constant 5 : i32
        %get3A_521 = arith.index_cast %select_n3A_456 : i32 to index
        %get3A_522 = arith.index_cast %get3A_520 : i32 to index
        %get3A_523 = arith.index_cast %mul3A_474 : i32 to index
        %get3A_524 = tpu.vector_load %arg10[%get3A_521, %get3A_522, %get3A_523] {strides = array<i32>} : memref<10x24x128xf32, #tpu.memory_space<vmem>>, vector<16xf32>,
        %mul3A_525 = vector.broadcast %squeeze3A_51 : f32 to vector<16xf32>
        %mul3A_526 = arith.mulf %mul3A_525, %get3A_524 : vector<16xf32>
        %add3A_527 = arith.addf %add3A_519, %mul3A_526 : vector<16xf32>
        %get3A_528 = arith.constant 6 : i32
        %get3A_529 = arith.index_cast %select_n3A_456 : i32 to index
        %get3A_530 = arith.index_cast %get3A_528 : i32 to index
        %get3A_531 = arith.index_cast %mul3A_474 : i32 to index
        %get3A_532 = tpu.vector_load %arg10[%get3A_529, %get3A_530, %get3A_531] {strides = array<i32>} : memref<10x24x128xf32, #tpu.memory_space<vmem>>, vector<16xf32>,
        %mul3A_533 = vector.broadcast %squeeze3A_53 : f32 to vector<16xf32>
        %mul3A_534 = arith.mulf %mul3A_533, %get3A_532 : vector<16xf32>
        %add3A_535 = arith.addf %add3A_527, %mul3A_534 : vector<16xf32>
        %get3A_536 = arith.constant 7 : i32
        %get3A_537 = arith.index_cast %select_n3A_456 : i32 to index
        %get3A_538 = arith.index_cast %get3A_536 : i32 to index
        %get3A_539 = arith.index_cast %mul3A_474 : i32 to index
        %get3A_540 = tpu.vector_load %arg10[%get3A_537, %get3A_538, %get3A_539] {strides = array<i32>} : memref<10x24x128xf32, #tpu.memory_space<vmem>>, vector<16xf32>,
        %mul3A_541 = vector.broadcast %squeeze3A_55 : f32 to vector<16xf32>
        %mul3A_542 = arith.mulf %mul3A_541, %get3A_540 : vector<16xf32>
        %add3A_543 = arith.addf %add3A_535, %mul3A_542 : vector<16xf32>
        %get3A_544 = arith.constant 8 : i32
        %get3A_545 = arith.index_cast %select_n3A_456 : i32 to index
        %get3A_546 = arith.index_cast %get3A_544 : i32 to index
        %get3A_547 = arith.index_cast %mul3A_474 : i32 to index
        %get3A_548 = tpu.vector_load %arg10[%get3A_545, %get3A_546, %get3A_547] {strides = array<i32>} : memref<10x24x128xf32, #tpu.memory_space<vmem>>, vector<16xf32>,
        %mul3A_549 = vector.broadcast %squeeze3A_57 : f32 to vector<16xf32>
        %mul3A_550 = arith.mulf %mul3A_549, %get3A_548 : vector<16xf32>
        %add3A_551 = arith.addf %add3A_543, %mul3A_550 : vector<16xf32>
        %get3A_552 = arith.constant 9 : i32
        %get3A_553 = arith.index_cast %select_n3A_456 : i32 to index
        %get3A_554 = arith.index_cast %get3A_552 : i32 to index
        %get3A_555 = arith.index_cast %mul3A_474 : i32 to index
        %get3A_556 = tpu.vector_load %arg10[%get3A_553, %get3A_554, %get3A_555] {strides = array<i32>} : memref<10x24x128xf32, #tpu.memory_space<vmem>>, vector<16xf32>,
        %mul3A_557 = vector.broadcast %squeeze3A_59 : f32 to vector<16xf32>
        %mul3A_558 = arith.mulf %mul3A_557, %get3A_556 : vector<16xf32>
        %add3A_559 = arith.addf %add3A_551, %mul3A_558 : vector<16xf32>
        %get3A_560 = arith.constant 10 : i32
        %get3A_561 = arith.index_cast %select_n3A_456 : i32 to index
        %get3A_562 = arith.index_cast %get3A_560 : i32 to index
        %get3A_563 = arith.index_cast %mul3A_474 : i32 to index
        %get3A_564 = tpu.vector_load %arg10[%get3A_561, %get3A_562, %get3A_563] {strides = array<i32>} : memref<10x24x128xf32, #tpu.memory_space<vmem>>, vector<16xf32>,
        %mul3A_565 = vector.broadcast %squeeze3A_61 : f32 to vector<16xf32>
        %mul3A_566 = arith.mulf %mul3A_565, %get3A_564 : vector<16xf32>
        %add3A_567 = arith.addf %add3A_559, %mul3A_566 : vector<16xf32>
        %get3A_568 = arith.constant 11 : i32
        %get3A_569 = arith.index_cast %select_n3A_456 : i32 to index
        %get3A_570 = arith.index_cast %get3A_568 : i32 to index
        %get3A_571 = arith.index_cast %mul3A_474 : i32 to index
        %get3A_572 = tpu.vector_load %arg10[%get3A_569, %get3A_570, %get3A_571] {strides = array<i32>} : memref<10x24x128xf32, #tpu.memory_space<vmem>>, vector<16xf32>,
        %mul3A_573 = vector.broadcast %squeeze3A_63 : f32 to vector<16xf32>
        %mul3A_574 = arith.mulf %mul3A_573, %get3A_572 : vector<16xf32>
        %add3A_575 = arith.addf %add3A_567, %mul3A_574 : vector<16xf32>
        %get3A_576 = arith.constant 12 : i32
        %get3A_577 = arith.index_cast %select_n3A_456 : i32 to index
        %get3A_578 = arith.index_cast %get3A_576 : i32 to index
        %get3A_579 = arith.index_cast %mul3A_474 : i32 to index
        %get3A_580 = tpu.vector_load %arg10[%get3A_577, %get3A_578, %get3A_579] {strides = array<i32>} : memref<10x24x128xf32, #tpu.memory_space<vmem>>, vector<16xf32>,
        %mul3A_581 = vector.broadcast %squeeze3A_65 : f32 to vector<16xf32>
        %mul3A_582 = arith.mulf %mul3A_581, %get3A_580 : vector<16xf32>
        %add3A_583 = arith.addf %add3A_575, %mul3A_582 : vector<16xf32>
        %get3A_584 = arith.constant 13 : i32
        %get3A_585 = arith.index_cast %select_n3A_456 : i32 to index
        %get3A_586 = arith.index_cast %get3A_584 : i32 to index
        %get3A_587 = arith.index_cast %mul3A_474 : i32 to index
        %get3A_588 = tpu.vector_load %arg10[%get3A_585, %get3A_586, %get3A_587] {strides = array<i32>} : memref<10x24x128xf32, #tpu.memory_space<vmem>>, vector<16xf32>,
        %mul3A_589 = vector.broadcast %squeeze3A_67 : f32 to vector<16xf32>
        %mul3A_590 = arith.mulf %mul3A_589, %get3A_588 : vector<16xf32>
        %add3A_591 = arith.addf %add3A_583, %mul3A_590 : vector<16xf32>
        %get3A_592 = arith.constant 14 : i32
        %get3A_593 = arith.index_cast %select_n3A_456 : i32 to index
        %get3A_594 = arith.index_cast %get3A_592 : i32 to index
        %get3A_595 = arith.index_cast %mul3A_474 : i32 to index
        %get3A_596 = tpu.vector_load %arg10[%get3A_593, %get3A_594, %get3A_595] {strides = array<i32>} : memref<10x24x128xf32, #tpu.memory_space<vmem>>, vector<16xf32>,
        %mul3A_597 = vector.broadcast %squeeze3A_69 : f32 to vector<16xf32>
        %mul3A_598 = arith.mulf %mul3A_597, %get3A_596 : vector<16xf32>
        %add3A_599 = arith.addf %add3A_591, %mul3A_598 : vector<16xf32>
        %get3A_600 = arith.constant 15 : i32
        %get3A_601 = arith.index_cast %select_n3A_456 : i32 to index
        %get3A_602 = arith.index_cast %get3A_600 : i32 to index
        %get3A_603 = arith.index_cast %mul3A_474 : i32 to index
        %get3A_604 = tpu.vector_load %arg10[%get3A_601, %get3A_602, %get3A_603] {strides = array<i32>} : memref<10x24x128xf32, #tpu.memory_space<vmem>>, vector<16xf32>,
        %mul3A_605 = vector.broadcast %squeeze3A_71 : f32 to vector<16xf32>
        %mul3A_606 = arith.mulf %mul3A_605, %get3A_604 : vector<16xf32>
        %add3A_607 = arith.addf %add3A_599, %mul3A_606 : vector<16xf32>
        %broadcast_in_dim3A_608 = vector.broadcast %select_n3A_456 : i32 to vector<16xi32>
        %gather3A = tpu.vector_load_idx %arg9[%broadcast_in_dim3A_608] : memref<16xi32, #tpu.memory_space<vmem>>[vector<16xi32>], vector<16xi32>,
        %mul3A_609 = arith.constant 128 : i32
        %mul3A_610 = vector.broadcast %mul3A_609 : i32 to vector<16xi32>
        %mul3A_611 = arith.muli %gather3A, %mul3A_610 : vector<16xi32>
        %mul3A_612 = arith.constant 16 : i32
        %mul3A_613 = arith.muli %select_n3A_472, %mul3A_612 : i32
        %add3A_614 = vector.broadcast %mul3A_613 : i32 to vector<16xi32>
        %add3A_615 = arith.addi %mul3A_611, %add3A_614 : vector<16xi32>
        %iota3A_616 = tpu.iota {dimensions = array<i32: 0>} : vector<16xi32>
        %add3A_617 = arith.addi %add3A_615, %iota3A_616 : vector<16xi32>
        %reduce_max3A_618 = arith.constant true
        %reduce_max3A_619 = vector.broadcast %reduce_max3A_618 : i1 to vector<16xi1>
        %reduce_max3A_620 = tpu.scan <max>, %add3A_607 masked %reduce_max3A_619 : vector<16xf32>, vector<16xi1> -> vector<16xf32>
        %reduce_max3A_621 = vector.extract %reduce_max3A_620[15] : f32 from vector<16xf32>
        %gt3A = arith.cmpf ogt, %reduce_max3A_621, %scan3A_432 : f32
        %convert_element_type3A = arith.extui %gt3A : i1 to i32
        %cond3A = arith.constant 0 : i32
        %cond3A_622 = arith.cmpi ne, %convert_element_type3A, %cond3A : i32
        %cond3A_623:3 = scf.if %cond3A_622 -> (vector<16xf32>, vector<16xi32>, f32) {
          %masked_sort3A = arith.constant dense<true> : vector<16xi1>
          %masked_sort3A_624, %masked_sort3A_625, %masked_sort3A_626 = tpu.sort %add3A_607, %add3A_617 masked %masked_sort3A {descending = true} : (vector<16xf32>, vector<16xi32>, vector<16xi1>) -> (vector<16xi1>, vector<16xf32>, vector<16xi32>)
          %rev3A = arith.constant 15 : i32
          %rev3A_627 = vector.broadcast %rev3A : i32 to vector<16xi32>
          %rev3A_628 = tpu.iota {dimensions = array<i32: 0>} : vector<16xi32>
          %rev3A_629 = arith.subi %rev3A_627, %rev3A_628 : vector<16xi32>
          %rev3A_630 = tpu.dynamic_gather %masked_sort3A_625[%rev3A_629] in [0] : vector<16xf32>, vector<16xi32> -> vector<16xf32>
          %rev3A_631 = arith.constant 15 : i32
          %rev3A_632 = vector.broadcast %rev3A_631 : i32 to vector<16xi32>
          %rev3A_633 = tpu.iota {dimensions = array<i32: 0>} : vector<16xi32>
          %rev3A_634 = arith.subi %rev3A_632, %rev3A_633 : vector<16xi32>
          %rev3A_635 = tpu.dynamic_gather %masked_sort3A_626[%rev3A_634] in [0] : vector<16xi32>, vector<16xi32> -> vector<16xi32>
          %ge3A = arith.cmpf oge, %scan3A_430, %rev3A_630 : vector<16xf32>
          %select_n3A_636 = arith.select %ge3A, %scan3A_430, %rev3A_630 : vector<16xi1>, vector<16xf32>
          %select_n3A_637 = arith.select %ge3A, %scan3A_431, %rev3A_635 : vector<16xi1>, vector<16xi32>
          %masked_sort3A_638 = arith.constant dense<true> : vector<16xi1>
          %masked_sort3A_639, %masked_sort3A_640, %masked_sort3A_641 = tpu.sort %select_n3A_636, %select_n3A_637 masked %masked_sort3A_638 {descending = true} : (vector<16xf32>, vector<16xi32>, vector<16xi1>) -> (vector<16xi1>, vector<16xf32>, vector<16xi32>)
          %iota3A_642 = tpu.iota {dimensions = array<i32: 0>} : vector<16xi32>
          %eq3A_643 = arith.constant 9 : i32
          %eq3A_644 = vector.broadcast %eq3A_643 : i32 to vector<16xi32>
          %eq3A_645 = arith.cmpi eq, %iota3A_642, %eq3A_644 : vector<16xi32>
          %broadcast_in_dim3A_646 = arith.constant -3.000000e+38 : f32
          %broadcast_in_dim3A_647 = vector.broadcast %broadcast_in_dim3A_646 : f32 to vector<16xf32>
          %select_n3A_648 = arith.select %eq3A_645, %masked_sort3A_640, %broadcast_in_dim3A_647 : vector<16xi1>, vector<16xf32>
          %reduce_max3A_649 = arith.constant true
          %reduce_max3A_650 = vector.broadcast %reduce_max3A_649 : i1 to vector<16xi1>
          %reduce_max3A_651 = tpu.scan <max>, %select_n3A_648 masked %reduce_max3A_650 : vector<16xf32>, vector<16xi1> -> vector<16xf32>
          %reduce_max3A_652 = vector.extract %reduce_max3A_651[15] : f32 from vector<16xf32>
          scf.yield %masked_sort3A_640, %masked_sort3A_641, %reduce_max3A_652 : vector<16xf32>, vector<16xi32>, f32
        } else {
          scf.yield %scan3A_430, %scan3A_431, %scan3A_432 : vector<16xf32>, vector<16xi32>, f32
        }
        scf.yield %cond3A_623#0, %cond3A_623#1, %cond3A_623#2 : vector<16xf32>, vector<16xi32>, f32
      }
      %scan3A_77 = arith.constant 80 : i32
      %iota3A_78 = tpu.iota {dimensions = array<i32: 0>} : vector<16xi32>
      %reduce_max3A_79 = arith.constant true
      %reduce_max3A_80 = vector.broadcast %reduce_max3A_79 : i1 to vector<16xi1>
      %reduce_max3A_81 = tpu.scan <max>, %scan3A_76#0 masked %reduce_max3A_80 : vector<16xf32>, vector<16xi1> -> vector<16xf32>
      %reduce_max3A_82 = vector.extract %reduce_max3A_81[15] : f32 from vector<16xf32>
      %sub3A_83 = vector.broadcast %reduce_max3A_82 : f32 to vector<16xf32>
      %sub3A_84 = arith.subf %scan3A_76#0, %sub3A_83 : vector<16xf32>
      %exp3A = math.exp %sub3A_84 : vector<16xf32>
      %lt3A = arith.constant 10 : i32
      %lt3A_85 = vector.broadcast %lt3A : i32 to vector<16xi32>
      %lt3A_86 = arith.cmpi slt, %iota3A_78, %lt3A_85 : vector<16xi32>
      %jit3A = arith.constant 0.000000e+00 : f32
      %broadcast_in_dim3A_87 = vector.broadcast %jit3A : f32 to vector<16xf32>
      %select_n3A_88 = arith.select %lt3A_86, %exp3A, %broadcast_in_dim3A_87 : vector<16xi1>, vector<16xf32>
      %reduce_sum3A = arith.constant true
      %reduce_sum3A_89 = vector.broadcast %reduce_sum3A : i1 to vector<16xi1>
      %reduce_sum3A_90 = tpu.scan <sum>, %select_n3A_88 masked %reduce_sum3A_89 : vector<16xf32>, vector<16xi1> -> vector<16xf32>
      %reduce_sum3A_91 = vector.extract %reduce_sum3A_90[15] : f32 from vector<16xf32>
      %div3A = vector.broadcast %reduce_sum3A_91 : f32 to vector<16xf32>
      %div3A_92 = arith.divf %select_n3A_88, %div3A : vector<16xf32>
      %jit3A_93 = arith.constant 8 : i32
      %div3A_94 = vector.broadcast %jit3A_93 : i32 to vector<16xi32>
      %div3A_95 = arith.divsi %scan3A_76#1, %div3A_94 : vector<16xi32>
      %sign3A = arith.constant 0 : i32
      %sign3A_96 = vector.broadcast %sign3A : i32 to vector<16xi32>
      %sign3A_97 = arith.cmpi sgt, %scan3A_76#1, %sign3A_96 : vector<16xi32>
      %sign3A_98 = arith.extui %sign3A_97 : vector<16xi1> to vector<16xi32>
      %sign3A_99 = arith.constant 0 : i32
      %sign3A_100 = vector.broadcast %sign3A_99 : i32 to vector<16xi32>
      %sign3A_101 = arith.cmpi slt, %scan3A_76#1, %sign3A_100 : vector<16xi32>
      %sign3A_102 = arith.extui %sign3A_101 : vector<16xi1> to vector<16xi32>
      %sign3A_103 = arith.subi %sign3A_98, %sign3A_102 : vector<16xi32>
      %sign3A_104 = arith.constant 0 : i32
      %sign3A_105 = arith.cmpi sgt, %jit3A_93, %sign3A_104 : i32
      %sign3A_106 = arith.extui %sign3A_105 : i1 to i32
      %sign3A_107 = arith.constant 0 : i32
      %sign3A_108 = arith.cmpi slt, %jit3A_93, %sign3A_107 : i32
      %sign3A_109 = arith.extui %sign3A_108 : i1 to i32
      %sign3A_110 = arith.subi %sign3A_106, %sign3A_109 : i32
      %ne3A = vector.broadcast %sign3A_110 : i32 to vector<16xi32>
      %ne3A_111 = arith.cmpi ne, %sign3A_103, %ne3A : vector<16xi32>
      %rem3A = vector.broadcast %jit3A_93 : i32 to vector<16xi32>
      %rem3A_112 = arith.remsi %scan3A_76#1, %rem3A : vector<16xi32>
      %ne3A_113 = arith.constant 0 : i32
      %ne3A_114 = vector.broadcast %ne3A_113 : i32 to vector<16xi32>
      %ne3A_115 = arith.cmpi ne, %rem3A_112, %ne3A_114 : vector<16xi32>
      %and3A = arith.andi %ne3A_111, %ne3A_115 : vector<16xi1>
      %sub3A_116 = arith.constant 1 : i32
      %sub3A_117 = vector.broadcast %sub3A_116 : i32 to vector<16xi32>
      %sub3A_118 = arith.subi %div3A_95, %sub3A_117 : vector<16xi32>
      %select_n3A_119 = arith.select %and3A, %sub3A_118, %div3A_95 : vector<16xi1>, vector<16xi32>
      %swap3A_120 = arith.constant 0 : index
      %swap3A_121 = tpu.vector_load %arg11[%swap3A_120] {strides = array<i32>} : memref<16xi32, #tpu.memory_space<vmem>>, vector<16xi32>,
      tpu.vector_store %arg11[%swap3A_120], %select_n3A_119 {strides = array<i32>} : memref<16xi32, #tpu.memory_space<vmem>>, vector<16xi32>,
      %dma_start3A_122 = arith.constant 0 : i32
      %dma_start3A_123 = arith.constant 0 : i32
      %dma_start3A_124 = tpu.memref_slice %arg5[%dma_start3A_122, %dma_start3A_123] : memref<125000x128xf32, #tpu.memory_space<hbm>> -> memref<125000x128xf32, #tpu.memory_space<hbm>>
      tpu.enqueue_indirect_dma source(%dma_start3A_124 : memref<125000x128xf32, #tpu.memory_space<hbm>>) target(%arg12 : memref<16x128xf32, #tpu.memory_space<vmem>>) offsets(%arg11 : memref<16xi32, #tpu.memory_space<vmem>>) semaphore(%arg14 : memref<!tpu.dma_semaphore, #tpu.memory_space<semaphore_mem>>)
      %dma_wait3A_125 = arith.constant 0 : i32
      %dma_wait3A_126 = arith.constant 0 : i32
      %dma_wait3A_127 = tpu.memref_slice %arg5[%dma_wait3A_125, %dma_wait3A_126] : memref<125000x128xf32, #tpu.memory_space<hbm>> -> memref<125000x128xf32, #tpu.memory_space<hbm>>
      tpu.wait_indirect_dma semaphore(%arg14 : memref<!tpu.dma_semaphore, #tpu.memory_space<semaphore_mem>>) src(%dma_wait3A_127 : memref<125000x128xf32, #tpu.memory_space<hbm>>) dst(%arg12 : memref<16x128xf32, #tpu.memory_space<vmem>>)
      %slice3A_128 = vector.extract_strided_slice %scan3A_76#1 {offsets = [0], sizes = [1], strides = [1]} : vector<16xi32> to vector<1xi32>
      %squeeze3A_129 = vector.extract %slice3A_128[0] : i32 from vector<1xi32>
      %jit3A_130 = arith.constant 8 : i32
      %eq3A_131 = arith.constant 0 : i32
      %eq3A_132 = arith.cmpi eq, %jit3A_130, %eq3A_131 : i32
      %jit3A_133 = arith.constant 1 : i32
      %select_n3A_134 = arith.select %eq3A_132, %jit3A_133, %jit3A_130 : i32
      %rem3A_135 = arith.remsi %squeeze3A_129, %select_n3A_134 : i32
      %ne3A_136 = arith.constant 0 : i32
      %ne3A_137 = arith.cmpi ne, %rem3A_135, %ne3A_136 : i32
      %lt3A_138 = arith.constant 0 : i32
      %lt3A_139 = arith.cmpi slt, %rem3A_135, %lt3A_138 : i32
      %lt3A_140 = arith.constant 0 : i32
      %lt3A_141 = arith.cmpi slt, %select_n3A_134, %lt3A_140 : i32
      %ne3A_142 = arith.xori %lt3A_139, %lt3A_141 : i1
      %and3A_143 = arith.andi %ne3A_142, %ne3A_137 : i1
      %add3A_144 = arith.addi %rem3A_135, %select_n3A_134 : i32
      %select_n3A_145 = arith.select %and3A_143, %add3A_144, %rem3A_135 : i32
      %mul3A_146 = arith.constant 16 : i32
      %mul3A_147 = arith.muli %select_n3A_145, %mul3A_146 : i32
      %slice3A_148 = vector.extract_strided_slice %div3A_92 {offsets = [0], sizes = [1], strides = [1]} : vector<16xf32> to vector<1xf32>
      %squeeze3A_149 = vector.extract %slice3A_148[0] : f32 from vector<1xf32>
      %get3A_150 = arith.constant 0 : i32
      %get3A_151 = arith.index_cast %get3A_150 : i32 to index
      %get3A_152 = arith.index_cast %mul3A_147 : i32 to index
      %get3A_153 = tpu.vector_load %arg12[%get3A_151, %get3A_152] {strides = array<i32>} : memref<16x128xf32, #tpu.memory_space<vmem>>, vector<16xf32>,
      %mul3A_154 = vector.broadcast %squeeze3A_149 : f32 to vector<16xf32>
      %mul3A_155 = arith.mulf %mul3A_154, %get3A_153 : vector<16xf32>
      %swap3A_156 = arith.constant 0 : index
      %swap3A_157 = tpu.vector_load %arg13[%swap3A_156] {strides = array<i32>} : memref<160xf32, #tpu.memory_space<vmem>>, vector<16xf32>,
      tpu.vector_store %arg13[%swap3A_156], %mul3A_155 {strides = array<i32>} : memref<160xf32, #tpu.memory_space<vmem>>, vector<16xf32>,
      %slice3A_158 = vector.extract_strided_slice %scan3A_76#1 {offsets = [1], sizes = [1], strides = [1]} : vector<16xi32> to vector<1xi32>
      %squeeze3A_159 = vector.extract %slice3A_158[0] : i32 from vector<1xi32>
      %jit3A_160 = arith.constant 8 : i32
      %eq3A_161 = arith.constant 0 : i32
      %eq3A_162 = arith.cmpi eq, %jit3A_160, %eq3A_161 : i32
      %jit3A_163 = arith.constant 1 : i32
      %select_n3A_164 = arith.select %eq3A_162, %jit3A_163, %jit3A_160 : i32
      %rem3A_165 = arith.remsi %squeeze3A_159, %select_n3A_164 : i32
      %ne3A_166 = arith.constant 0 : i32
      %ne3A_167 = arith.cmpi ne, %rem3A_165, %ne3A_166 : i32
      %lt3A_168 = arith.constant 0 : i32
      %lt3A_169 = arith.cmpi slt, %rem3A_165, %lt3A_168 : i32
      %lt3A_170 = arith.constant 0 : i32
      %lt3A_171 = arith.cmpi slt, %select_n3A_164, %lt3A_170 : i32
      %ne3A_172 = arith.xori %lt3A_169, %lt3A_171 : i1
      %and3A_173 = arith.andi %ne3A_172, %ne3A_167 : i1
      %add3A_174 = arith.addi %rem3A_165, %select_n3A_164 : i32
      %select_n3A_175 = arith.select %and3A_173, %add3A_174, %rem3A_165 : i32
      %mul3A_176 = arith.constant 16 : i32
      %mul3A_177 = arith.muli %select_n3A_175, %mul3A_176 : i32
      %slice3A_178 = vector.extract_strided_slice %div3A_92 {offsets = [1], sizes = [1], strides = [1]} : vector<16xf32> to vector<1xf32>
      %squeeze3A_179 = vector.extract %slice3A_178[0] : f32 from vector<1xf32>
      %get3A_180 = arith.constant 1 : i32
      %get3A_181 = arith.index_cast %get3A_180 : i32 to index
      %get3A_182 = arith.index_cast %mul3A_177 : i32 to index
      %get3A_183 = tpu.vector_load %arg12[%get3A_181, %get3A_182] {strides = array<i32>} : memref<16x128xf32, #tpu.memory_space<vmem>>, vector<16xf32>,
      %mul3A_184 = vector.broadcast %squeeze3A_179 : f32 to vector<16xf32>
      %mul3A_185 = arith.mulf %mul3A_184, %get3A_183 : vector<16xf32>
      %swap3A_186 = arith.constant 16 : index
      %swap3A_187 = tpu.vector_load %arg13[%swap3A_186] {strides = array<i32>} : memref<160xf32, #tpu.memory_space<vmem>>, vector<16xf32>,
      tpu.vector_store %arg13[%swap3A_186], %mul3A_185 {strides = array<i32>} : memref<160xf32, #tpu.memory_space<vmem>>, vector<16xf32>,
      %slice3A_188 = vector.extract_strided_slice %scan3A_76#1 {offsets = [2], sizes = [1], strides = [1]} : vector<16xi32> to vector<1xi32>
      %squeeze3A_189 = vector.extract %slice3A_188[0] : i32 from vector<1xi32>
      %jit3A_190 = arith.constant 8 : i32
      %eq3A_191 = arith.constant 0 : i32
      %eq3A_192 = arith.cmpi eq, %jit3A_190, %eq3A_191 : i32
      %jit3A_193 = arith.constant 1 : i32
      %select_n3A_194 = arith.select %eq3A_192, %jit3A_193, %jit3A_190 : i32
      %rem3A_195 = arith.remsi %squeeze3A_189, %select_n3A_194 : i32
      %ne3A_196 = arith.constant 0 : i32
      %ne3A_197 = arith.cmpi ne, %rem3A_195, %ne3A_196 : i32
      %lt3A_198 = arith.constant 0 : i32
      %lt3A_199 = arith.cmpi slt, %rem3A_195, %lt3A_198 : i32
      %lt3A_200 = arith.constant 0 : i32
      %lt3A_201 = arith.cmpi slt, %select_n3A_194, %lt3A_200 : i32
      %ne3A_202 = arith.xori %lt3A_199, %lt3A_201 : i1
      %and3A_203 = arith.andi %ne3A_202, %ne3A_197 : i1
      %add3A_204 = arith.addi %rem3A_195, %select_n3A_194 : i32
      %select_n3A_205 = arith.select %and3A_203, %add3A_204, %rem3A_195 : i32
      %mul3A_206 = arith.constant 16 : i32
      %mul3A_207 = arith.muli %select_n3A_205, %mul3A_206 : i32
      %slice3A_208 = vector.extract_strided_slice %div3A_92 {offsets = [2], sizes = [1], strides = [1]} : vector<16xf32> to vector<1xf32>
      %squeeze3A_209 = vector.extract %slice3A_208[0] : f32 from vector<1xf32>
      %get3A_210 = arith.constant 2 : i32
      %get3A_211 = arith.index_cast %get3A_210 : i32 to index
      %get3A_212 = arith.index_cast %mul3A_207 : i32 to index
      %get3A_213 = tpu.vector_load %arg12[%get3A_211, %get3A_212] {strides = array<i32>} : memref<16x128xf32, #tpu.memory_space<vmem>>, vector<16xf32>,
      %mul3A_214 = vector.broadcast %squeeze3A_209 : f32 to vector<16xf32>
      %mul3A_215 = arith.mulf %mul3A_214, %get3A_213 : vector<16xf32>
      %swap3A_216 = arith.constant 32 : index
      %swap3A_217 = tpu.vector_load %arg13[%swap3A_216] {strides = array<i32>} : memref<160xf32, #tpu.memory_space<vmem>>, vector<16xf32>,
      tpu.vector_store %arg13[%swap3A_216], %mul3A_215 {strides = array<i32>} : memref<160xf32, #tpu.memory_space<vmem>>, vector<16xf32>,
      %slice3A_218 = vector.extract_strided_slice %scan3A_76#1 {offsets = [3], sizes = [1], strides = [1]} : vector<16xi32> to vector<1xi32>
      %squeeze3A_219 = vector.extract %slice3A_218[0] : i32 from vector<1xi32>
      %jit3A_220 = arith.constant 8 : i32
      %eq3A_221 = arith.constant 0 : i32
      %eq3A_222 = arith.cmpi eq, %jit3A_220, %eq3A_221 : i32
      %jit3A_223 = arith.constant 1 : i32
      %select_n3A_224 = arith.select %eq3A_222, %jit3A_223, %jit3A_220 : i32
      %rem3A_225 = arith.remsi %squeeze3A_219, %select_n3A_224 : i32
      %ne3A_226 = arith.constant 0 : i32
      %ne3A_227 = arith.cmpi ne, %rem3A_225, %ne3A_226 : i32
      %lt3A_228 = arith.constant 0 : i32
      %lt3A_229 = arith.cmpi slt, %rem3A_225, %lt3A_228 : i32
      %lt3A_230 = arith.constant 0 : i32
      %lt3A_231 = arith.cmpi slt, %select_n3A_224, %lt3A_230 : i32
      %ne3A_232 = arith.xori %lt3A_229, %lt3A_231 : i1
      %and3A_233 = arith.andi %ne3A_232, %ne3A_227 : i1
      %add3A_234 = arith.addi %rem3A_225, %select_n3A_224 : i32
      %select_n3A_235 = arith.select %and3A_233, %add3A_234, %rem3A_225 : i32
      %mul3A_236 = arith.constant 16 : i32
      %mul3A_237 = arith.muli %select_n3A_235, %mul3A_236 : i32
      %slice3A_238 = vector.extract_strided_slice %div3A_92 {offsets = [3], sizes = [1], strides = [1]} : vector<16xf32> to vector<1xf32>
      %squeeze3A_239 = vector.extract %slice3A_238[0] : f32 from vector<1xf32>
      %get3A_240 = arith.constant 3 : i32
      %get3A_241 = arith.index_cast %get3A_240 : i32 to index
      %get3A_242 = arith.index_cast %mul3A_237 : i32 to index
      %get3A_243 = tpu.vector_load %arg12[%get3A_241, %get3A_242] {strides = array<i32>} : memref<16x128xf32, #tpu.memory_space<vmem>>, vector<16xf32>,
      %mul3A_244 = vector.broadcast %squeeze3A_239 : f32 to vector<16xf32>
      %mul3A_245 = arith.mulf %mul3A_244, %get3A_243 : vector<16xf32>
      %swap3A_246 = arith.constant 48 : index
      %swap3A_247 = tpu.vector_load %arg13[%swap3A_246] {strides = array<i32>} : memref<160xf32, #tpu.memory_space<vmem>>, vector<16xf32>,
      tpu.vector_store %arg13[%swap3A_246], %mul3A_245 {strides = array<i32>} : memref<160xf32, #tpu.memory_space<vmem>>, vector<16xf32>,
      %slice3A_248 = vector.extract_strided_slice %scan3A_76#1 {offsets = [4], sizes = [1], strides = [1]} : vector<16xi32> to vector<1xi32>
      %squeeze3A_249 = vector.extract %slice3A_248[0] : i32 from vector<1xi32>
      %jit3A_250 = arith.constant 8 : i32
      %eq3A_251 = arith.constant 0 : i32
      %eq3A_252 = arith.cmpi eq, %jit3A_250, %eq3A_251 : i32
      %jit3A_253 = arith.constant 1 : i32
      %select_n3A_254 = arith.select %eq3A_252, %jit3A_253, %jit3A_250 : i32
      %rem3A_255 = arith.remsi %squeeze3A_249, %select_n3A_254 : i32
      %ne3A_256 = arith.constant 0 : i32
      %ne3A_257 = arith.cmpi ne, %rem3A_255, %ne3A_256 : i32
      %lt3A_258 = arith.constant 0 : i32
      %lt3A_259 = arith.cmpi slt, %rem3A_255, %lt3A_258 : i32
      %lt3A_260 = arith.constant 0 : i32
      %lt3A_261 = arith.cmpi slt, %select_n3A_254, %lt3A_260 : i32
      %ne3A_262 = arith.xori %lt3A_259, %lt3A_261 : i1
      %and3A_263 = arith.andi %ne3A_262, %ne3A_257 : i1
      %add3A_264 = arith.addi %rem3A_255, %select_n3A_254 : i32
      %select_n3A_265 = arith.select %and3A_263, %add3A_264, %rem3A_255 : i32
      %mul3A_266 = arith.constant 16 : i32
      %mul3A_267 = arith.muli %select_n3A_265, %mul3A_266 : i32
      %slice3A_268 = vector.extract_strided_slice %div3A_92 {offsets = [4], sizes = [1], strides = [1]} : vector<16xf32> to vector<1xf32>
      %squeeze3A_269 = vector.extract %slice3A_268[0] : f32 from vector<1xf32>
      %get3A_270 = arith.constant 4 : i32
      %get3A_271 = arith.index_cast %get3A_270 : i32 to index
      %get3A_272 = arith.index_cast %mul3A_267 : i32 to index
      %get3A_273 = tpu.vector_load %arg12[%get3A_271, %get3A_272] {strides = array<i32>} : memref<16x128xf32, #tpu.memory_space<vmem>>, vector<16xf32>,
      %mul3A_274 = vector.broadcast %squeeze3A_269 : f32 to vector<16xf32>
      %mul3A_275 = arith.mulf %mul3A_274, %get3A_273 : vector<16xf32>
      %swap3A_276 = arith.constant 64 : index
      %swap3A_277 = tpu.vector_load %arg13[%swap3A_276] {strides = array<i32>} : memref<160xf32, #tpu.memory_space<vmem>>, vector<16xf32>,
      tpu.vector_store %arg13[%swap3A_276], %mul3A_275 {strides = array<i32>} : memref<160xf32, #tpu.memory_space<vmem>>, vector<16xf32>,
      %slice3A_278 = vector.extract_strided_slice %scan3A_76#1 {offsets = [5], sizes = [1], strides = [1]} : vector<16xi32> to vector<1xi32>
      %squeeze3A_279 = vector.extract %slice3A_278[0] : i32 from vector<1xi32>
      %jit3A_280 = arith.constant 8 : i32
      %eq3A_281 = arith.constant 0 : i32
      %eq3A_282 = arith.cmpi eq, %jit3A_280, %eq3A_281 : i32
      %jit3A_283 = arith.constant 1 : i32
      %select_n3A_284 = arith.select %eq3A_282, %jit3A_283, %jit3A_280 : i32
      %rem3A_285 = arith.remsi %squeeze3A_279, %select_n3A_284 : i32
      %ne3A_286 = arith.constant 0 : i32
      %ne3A_287 = arith.cmpi ne, %rem3A_285, %ne3A_286 : i32
      %lt3A_288 = arith.constant 0 : i32
      %lt3A_289 = arith.cmpi slt, %rem3A_285, %lt3A_288 : i32
      %lt3A_290 = arith.constant 0 : i32
      %lt3A_291 = arith.cmpi slt, %select_n3A_284, %lt3A_290 : i32
      %ne3A_292 = arith.xori %lt3A_289, %lt3A_291 : i1
      %and3A_293 = arith.andi %ne3A_292, %ne3A_287 : i1
      %add3A_294 = arith.addi %rem3A_285, %select_n3A_284 : i32
      %select_n3A_295 = arith.select %and3A_293, %add3A_294, %rem3A_285 : i32
      %mul3A_296 = arith.constant 16 : i32
      %mul3A_297 = arith.muli %select_n3A_295, %mul3A_296 : i32
      %slice3A_298 = vector.extract_strided_slice %div3A_92 {offsets = [5], sizes = [1], strides = [1]} : vector<16xf32> to vector<1xf32>
      %squeeze3A_299 = vector.extract %slice3A_298[0] : f32 from vector<1xf32>
      %get3A_300 = arith.constant 5 : i32
      %get3A_301 = arith.index_cast %get3A_300 : i32 to index
      %get3A_302 = arith.index_cast %mul3A_297 : i32 to index
      %get3A_303 = tpu.vector_load %arg12[%get3A_301, %get3A_302] {strides = array<i32>} : memref<16x128xf32, #tpu.memory_space<vmem>>, vector<16xf32>,
      %mul3A_304 = vector.broadcast %squeeze3A_299 : f32 to vector<16xf32>
      %mul3A_305 = arith.mulf %mul3A_304, %get3A_303 : vector<16xf32>
      %swap3A_306 = arith.constant 80 : index
      %swap3A_307 = tpu.vector_load %arg13[%swap3A_306] {strides = array<i32>} : memref<160xf32, #tpu.memory_space<vmem>>, vector<16xf32>,
      tpu.vector_store %arg13[%swap3A_306], %mul3A_305 {strides = array<i32>} : memref<160xf32, #tpu.memory_space<vmem>>, vector<16xf32>,
      %slice3A_308 = vector.extract_strided_slice %scan3A_76#1 {offsets = [6], sizes = [1], strides = [1]} : vector<16xi32> to vector<1xi32>
      %squeeze3A_309 = vector.extract %slice3A_308[0] : i32 from vector<1xi32>
      %jit3A_310 = arith.constant 8 : i32
      %eq3A_311 = arith.constant 0 : i32
      %eq3A_312 = arith.cmpi eq, %jit3A_310, %eq3A_311 : i32
      %jit3A_313 = arith.constant 1 : i32
      %select_n3A_314 = arith.select %eq3A_312, %jit3A_313, %jit3A_310 : i32
      %rem3A_315 = arith.remsi %squeeze3A_309, %select_n3A_314 : i32
      %ne3A_316 = arith.constant 0 : i32
      %ne3A_317 = arith.cmpi ne, %rem3A_315, %ne3A_316 : i32
      %lt3A_318 = arith.constant 0 : i32
      %lt3A_319 = arith.cmpi slt, %rem3A_315, %lt3A_318 : i32
      %lt3A_320 = arith.constant 0 : i32
      %lt3A_321 = arith.cmpi slt, %select_n3A_314, %lt3A_320 : i32
      %ne3A_322 = arith.xori %lt3A_319, %lt3A_321 : i1
      %and3A_323 = arith.andi %ne3A_322, %ne3A_317 : i1
      %add3A_324 = arith.addi %rem3A_315, %select_n3A_314 : i32
      %select_n3A_325 = arith.select %and3A_323, %add3A_324, %rem3A_315 : i32
      %mul3A_326 = arith.constant 16 : i32
      %mul3A_327 = arith.muli %select_n3A_325, %mul3A_326 : i32
      %slice3A_328 = vector.extract_strided_slice %div3A_92 {offsets = [6], sizes = [1], strides = [1]} : vector<16xf32> to vector<1xf32>
      %squeeze3A_329 = vector.extract %slice3A_328[0] : f32 from vector<1xf32>
      %get3A_330 = arith.constant 6 : i32
      %get3A_331 = arith.index_cast %get3A_330 : i32 to index
      %get3A_332 = arith.index_cast %mul3A_327 : i32 to index
      %get3A_333 = tpu.vector_load %arg12[%get3A_331, %get3A_332] {strides = array<i32>} : memref<16x128xf32, #tpu.memory_space<vmem>>, vector<16xf32>,
      %mul3A_334 = vector.broadcast %squeeze3A_329 : f32 to vector<16xf32>
      %mul3A_335 = arith.mulf %mul3A_334, %get3A_333 : vector<16xf32>
      %swap3A_336 = arith.constant 96 : index
      %swap3A_337 = tpu.vector_load %arg13[%swap3A_336] {strides = array<i32>} : memref<160xf32, #tpu.memory_space<vmem>>, vector<16xf32>,
      tpu.vector_store %arg13[%swap3A_336], %mul3A_335 {strides = array<i32>} : memref<160xf32, #tpu.memory_space<vmem>>, vector<16xf32>,
      %slice3A_338 = vector.extract_strided_slice %scan3A_76#1 {offsets = [7], sizes = [1], strides = [1]} : vector<16xi32> to vector<1xi32>
      %squeeze3A_339 = vector.extract %slice3A_338[0] : i32 from vector<1xi32>
      %jit3A_340 = arith.constant 8 : i32
      %eq3A_341 = arith.constant 0 : i32
      %eq3A_342 = arith.cmpi eq, %jit3A_340, %eq3A_341 : i32
      %jit3A_343 = arith.constant 1 : i32
      %select_n3A_344 = arith.select %eq3A_342, %jit3A_343, %jit3A_340 : i32
      %rem3A_345 = arith.remsi %squeeze3A_339, %select_n3A_344 : i32
      %ne3A_346 = arith.constant 0 : i32
      %ne3A_347 = arith.cmpi ne, %rem3A_345, %ne3A_346 : i32
      %lt3A_348 = arith.constant 0 : i32
      %lt3A_349 = arith.cmpi slt, %rem3A_345, %lt3A_348 : i32
      %lt3A_350 = arith.constant 0 : i32
      %lt3A_351 = arith.cmpi slt, %select_n3A_344, %lt3A_350 : i32
      %ne3A_352 = arith.xori %lt3A_349, %lt3A_351 : i1
      %and3A_353 = arith.andi %ne3A_352, %ne3A_347 : i1
      %add3A_354 = arith.addi %rem3A_345, %select_n3A_344 : i32
      %select_n3A_355 = arith.select %and3A_353, %add3A_354, %rem3A_345 : i32
      %mul3A_356 = arith.constant 16 : i32
      %mul3A_357 = arith.muli %select_n3A_355, %mul3A_356 : i32
      %slice3A_358 = vector.extract_strided_slice %div3A_92 {offsets = [7], sizes = [1], strides = [1]} : vector<16xf32> to vector<1xf32>
      %squeeze3A_359 = vector.extract %slice3A_358[0] : f32 from vector<1xf32>
      %get3A_360 = arith.constant 7 : i32
      %get3A_361 = arith.index_cast %get3A_360 : i32 to index
      %get3A_362 = arith.index_cast %mul3A_357 : i32 to index
      %get3A_363 = tpu.vector_load %arg12[%get3A_361, %get3A_362] {strides = array<i32>} : memref<16x128xf32, #tpu.memory_space<vmem>>, vector<16xf32>,
      %mul3A_364 = vector.broadcast %squeeze3A_359 : f32 to vector<16xf32>
      %mul3A_365 = arith.mulf %mul3A_364, %get3A_363 : vector<16xf32>
      %swap3A_366 = arith.constant 112 : index
      %swap3A_367 = tpu.vector_load %arg13[%swap3A_366] {strides = array<i32>} : memref<160xf32, #tpu.memory_space<vmem>>, vector<16xf32>,
      tpu.vector_store %arg13[%swap3A_366], %mul3A_365 {strides = array<i32>} : memref<160xf32, #tpu.memory_space<vmem>>, vector<16xf32>,
      %slice3A_368 = vector.extract_strided_slice %scan3A_76#1 {offsets = [8], sizes = [1], strides = [1]} : vector<16xi32> to vector<1xi32>
      %squeeze3A_369 = vector.extract %slice3A_368[0] : i32 from vector<1xi32>
      %jit3A_370 = arith.constant 8 : i32
      %eq3A_371 = arith.constant 0 : i32
      %eq3A_372 = arith.cmpi eq, %jit3A_370, %eq3A_371 : i32
      %jit3A_373 = arith.constant 1 : i32
      %select_n3A_374 = arith.select %eq3A_372, %jit3A_373, %jit3A_370 : i32
      %rem3A_375 = arith.remsi %squeeze3A_369, %select_n3A_374 : i32
      %ne3A_376 = arith.constant 0 : i32
      %ne3A_377 = arith.cmpi ne, %rem3A_375, %ne3A_376 : i32
      %lt3A_378 = arith.constant 0 : i32
      %lt3A_379 = arith.cmpi slt, %rem3A_375, %lt3A_378 : i32
      %lt3A_380 = arith.constant 0 : i32
      %lt3A_381 = arith.cmpi slt, %select_n3A_374, %lt3A_380 : i32
      %ne3A_382 = arith.xori %lt3A_379, %lt3A_381 : i1
      %and3A_383 = arith.andi %ne3A_382, %ne3A_377 : i1
      %add3A_384 = arith.addi %rem3A_375, %select_n3A_374 : i32
      %select_n3A_385 = arith.select %and3A_383, %add3A_384, %rem3A_375 : i32
      %mul3A_386 = arith.constant 16 : i32
      %mul3A_387 = arith.muli %select_n3A_385, %mul3A_386 : i32
      %slice3A_388 = vector.extract_strided_slice %div3A_92 {offsets = [8], sizes = [1], strides = [1]} : vector<16xf32> to vector<1xf32>
      %squeeze3A_389 = vector.extract %slice3A_388[0] : f32 from vector<1xf32>
      %get3A_390 = arith.constant 8 : i32
      %get3A_391 = arith.index_cast %get3A_390 : i32 to index
      %get3A_392 = arith.index_cast %mul3A_387 : i32 to index
      %get3A_393 = tpu.vector_load %arg12[%get3A_391, %get3A_392] {strides = array<i32>} : memref<16x128xf32, #tpu.memory_space<vmem>>, vector<16xf32>,
      %mul3A_394 = vector.broadcast %squeeze3A_389 : f32 to vector<16xf32>
      %mul3A_395 = arith.mulf %mul3A_394, %get3A_393 : vector<16xf32>
      %swap3A_396 = arith.constant 128 : index
      %swap3A_397 = tpu.vector_load %arg13[%swap3A_396] {strides = array<i32>} : memref<160xf32, #tpu.memory_space<vmem>>, vector<16xf32>,
      tpu.vector_store %arg13[%swap3A_396], %mul3A_395 {strides = array<i32>} : memref<160xf32, #tpu.memory_space<vmem>>, vector<16xf32>,
      %slice3A_398 = vector.extract_strided_slice %scan3A_76#1 {offsets = [9], sizes = [1], strides = [1]} : vector<16xi32> to vector<1xi32>
      %squeeze3A_399 = vector.extract %slice3A_398[0] : i32 from vector<1xi32>
      %jit3A_400 = arith.constant 8 : i32
      %eq3A_401 = arith.constant 0 : i32
      %eq3A_402 = arith.cmpi eq, %jit3A_400, %eq3A_401 : i32
      %jit3A_403 = arith.constant 1 : i32
      %select_n3A_404 = arith.select %eq3A_402, %jit3A_403, %jit3A_400 : i32
      %rem3A_405 = arith.remsi %squeeze3A_399, %select_n3A_404 : i32
      %ne3A_406 = arith.constant 0 : i32
      %ne3A_407 = arith.cmpi ne, %rem3A_405, %ne3A_406 : i32
      %lt3A_408 = arith.constant 0 : i32
      %lt3A_409 = arith.cmpi slt, %rem3A_405, %lt3A_408 : i32
      %lt3A_410 = arith.constant 0 : i32
      %lt3A_411 = arith.cmpi slt, %select_n3A_404, %lt3A_410 : i32
      %ne3A_412 = arith.xori %lt3A_409, %lt3A_411 : i1
      %and3A_413 = arith.andi %ne3A_412, %ne3A_407 : i1
      %add3A_414 = arith.addi %rem3A_405, %select_n3A_404 : i32
      %select_n3A_415 = arith.select %and3A_413, %add3A_414, %rem3A_405 : i32
      %mul3A_416 = arith.constant 16 : i32
      %mul3A_417 = arith.muli %select_n3A_415, %mul3A_416 : i32
      %slice3A_418 = vector.extract_strided_slice %div3A_92 {offsets = [9], sizes = [1], strides = [1]} : vector<16xf32> to vector<1xf32>
      %squeeze3A_419 = vector.extract %slice3A_418[0] : f32 from vector<1xf32>
      %get3A_420 = arith.constant 9 : i32
      %get3A_421 = arith.index_cast %get3A_420 : i32 to index
      %get3A_422 = arith.index_cast %mul3A_417 : i32 to index
      %get3A_423 = tpu.vector_load %arg12[%get3A_421, %get3A_422] {strides = array<i32>} : memref<16x128xf32, #tpu.memory_space<vmem>>, vector<16xf32>,
      %mul3A_424 = vector.broadcast %squeeze3A_419 : f32 to vector<16xf32>
      %mul3A_425 = arith.mulf %mul3A_424, %get3A_423 : vector<16xf32>
      %swap3A_426 = arith.constant 144 : index
      %swap3A_427 = tpu.vector_load %arg13[%swap3A_426] {strides = array<i32>} : memref<160xf32, #tpu.memory_space<vmem>>, vector<16xf32>,
      tpu.vector_store %arg13[%swap3A_426], %mul3A_425 {strides = array<i32>} : memref<160xf32, #tpu.memory_space<vmem>>, vector<16xf32>,
      "tpu.region"() ({
        %run_scoped3A = tpu.sem_alloc : memref<!tpu.dma_semaphore, #tpu.memory_space<semaphore_mem>>
        %dma_start3A_429 = arith.constant 0 : i32
        %dma_start3A_430 = tpu.memref_slice %arg6[%add3A_11, %dma_start3A_429] : memref<1024x160xf32, #tpu.memory_space<hbm>> -> memref<1x160xf32, #tpu.memory_space<hbm>>
        %dma_start3A_431 = tpu.memref_squeeze %dma_start3A_430 : memref<1x160xf32, #tpu.memory_space<hbm>> -> memref<160xf32, #tpu.memory_space<hbm>>
        %dma_start3A_432 = arith.constant 0 : i32
        %dma_start3A_433 = tpu.memref_slice %arg6[%add3A_11, %dma_start3A_432] : memref<1024x160xf32, #tpu.memory_space<hbm>> -> memref<1x160xf32, #tpu.memory_space<hbm>>
        %dma_start3A_434 = tpu.memref_squeeze %dma_start3A_433 : memref<1x160xf32, #tpu.memory_space<hbm>> -> memref<160xf32, #tpu.memory_space<hbm>>
        tpu.enqueue_dma source(%arg13 : memref<160xf32, #tpu.memory_space<vmem>>) target(%dma_start3A_434 : memref<160xf32, #tpu.memory_space<hbm>>) target_semaphore(%run_scoped3A : memref<!tpu.dma_semaphore, #tpu.memory_space<semaphore_mem>>)
        %dma_wait3A_435 = arith.constant 0 : i32
        %dma_wait3A_436 = tpu.memref_slice %arg6[%add3A_11, %dma_wait3A_435] : memref<1024x160xf32, #tpu.memory_space<hbm>> -> memref<1x160xf32, #tpu.memory_space<hbm>>
        %dma_wait3A_437 = tpu.memref_squeeze %dma_wait3A_436 : memref<1x160xf32, #tpu.memory_space<hbm>> -> memref<160xf32, #tpu.memory_space<hbm>>
        %dma_wait3A_438 = arith.constant 0 : i32
        %dma_wait3A_439 = tpu.memref_slice %arg6[%add3A_11, %dma_wait3A_438] : memref<1024x160xf32, #tpu.memory_space<hbm>> -> memref<1x160xf32, #tpu.memory_space<hbm>>
        %dma_wait3A_440 = tpu.memref_squeeze %dma_wait3A_439 : memref<1x160xf32, #tpu.memory_space<hbm>> -> memref<160xf32, #tpu.memory_space<hbm>>
        tpu.wait_dma2 semaphore(%run_scoped3A : memref<!tpu.dma_semaphore, #tpu.memory_space<semaphore_mem>>) src(%arg13 : memref<160xf32, #tpu.memory_space<vmem>>) dst(%dma_wait3A_440 : memref<160xf32, #tpu.memory_space<hbm>>)
        tpu.yield
      }) : () -> ()
      %scan3A_428 = arith.constant 0 : i32
      scf.yield %scan3A_428 : i32
    }
    %scan3A_6 = arith.constant 32 : i32
    return
  }
}

module attributes {stable_mosaic.version = 14 : i64} {
  func.func @_a_body(%arg0: i32, %arg1: memref<1024x16xf32, #tpu.memory_space<vmem>>, %arg2: memref<2048x16xf32, #tpu.memory_space<vmem>>, %arg3: memref<16x1x1024xf32, #tpu.memory_space<vmem>>, %arg4: memref<16x24x128xf32, #tpu.memory_space<vmem>>) attributes {dimension_semantics = [#tpu.dimension_semantics<arbitrary>], iteration_bounds = array<i64: 496>, scalar_prefetch = 0 : i64, scratch_operands = 0 : i64, tpu.core_type = #tpu.core_type<tc>, window_params = [{pipeline_mode = #tpu.pipeline_mode<synchronous>, transform_indices = @transform_0, window_bounds = array<i64: 1024, 16>}, {transform_indices = @transform_1, window_bounds = array<i64: 2048, 16>}, {transform_indices = @transform_2, window_bounds = array<i64: 16, 1, 1024>}, {transform_indices = @transform_3, window_bounds = array<i64: 16, 24, 128>}]} {
    %get3A = arith.constant 0 : index
    %get3A_0 = arith.constant 0 : index
    %get3A_1 = vector.load %arg2[%get3A, %get3A_0] : memref<2048x16xf32, #tpu.memory_space<vmem>>, vector<2048x16xf32>
    %get3A_2 = arith.constant 0 : index
    %get3A_3 = arith.constant 0 : index
    %get3A_4 = vector.load %arg1[%get3A_2, %get3A_3] : memref<1024x16xf32, #tpu.memory_space<vmem>>, vector<1024x16xf32>
    %mul3A = arith.mulf %get3A_1, %get3A_1 : vector<2048x16xf32>
    %reduce_sum3A = arith.constant dense<0.000000e+00> : vector<2048xf32>
    %reduce_sum3A_5 = vector.multi_reduction <add>, %mul3A, %reduce_sum3A [1] : vector<2048x16xf32> to vector<2048xf32>
    %broadcast_in_dim3A = vector.shape_cast %reduce_sum3A_5 : vector<2048xf32> to vector<2048x1xf32>
    %dot_general3A = arith.constant dense<0.000000e+00> : vector<2048x1024xf32>
    %dot_general3A_6 = tpu.matmul %get3A_1, %get3A_4, %dot_general3A {dimension_numbers = #tpu.dot_dimension_numbers<[1], [1], [0], [0], [0, 0, 1, 0], [], []>, transpose_lhs_hint = false} : vector<2048x16xf32>, vector<1024x16xf32>, vector<2048x1024xf32> -> vector<2048x1024xf32>
    %sub3A = vector.broadcast %broadcast_in_dim3A : vector<2048x1xf32> to vector<2048x1024xf32>
    %sub3A_7 = arith.subf %dot_general3A_6, %sub3A : vector<2048x1024xf32>
    %iota3A = tpu.iota {dimensions = array<i32: 0>} : vector<16x16xi32>
    %iota3A_8 = tpu.iota {dimensions = array<i32: 1>} : vector<16x16xi32>
    %add3A = arith.constant 0 : i32
    %add3A_9 = vector.broadcast %add3A : i32 to vector<16x16xi32>
    %add3A_10 = arith.addi %iota3A, %add3A_9 : vector<16x16xi32>
    %eq3A = arith.cmpi eq, %add3A_10, %iota3A_8 : vector<16x16xi32>
    %convert_element_type3A = arith.extui %eq3A : vector<16x16xi1> to vector<16x16xi32>
    %convert_element_type3A_11 = arith.sitofp %convert_element_type3A : vector<16x16xi32> to vector<16x16xf32>
    %mul3A_12 = arith.constant 2.000000e+00 : f32
    %mul3A_13 = vector.broadcast %mul3A_12 : f32 to vector<16x16xf32>
    %mul3A_14 = arith.mulf %mul3A_13, %convert_element_type3A_11 : vector<16x16xf32>
    %dot_general3A_15 = arith.constant dense<0.000000e+00> : vector<16x2048xf32>
    %dot_general3A_16 = tpu.matmul %mul3A_14, %get3A_1, %dot_general3A_15 {dimension_numbers = #tpu.dot_dimension_numbers<[1], [1], [0], [0], [0, 0, 1, 0], [], []>, precision = #tpu.contract_precision<fp32>, transpose_lhs_hint = false} : vector<16x16xf32>, vector<2048x16xf32>, vector<16x2048xf32> -> vector<16x2048xf32>
    %convert_element_type3A_17 = arith.truncf %dot_general3A_16 : vector<16x2048xf32> to vector<16x2048xbf16>
    %convert_element_type3A_18 = arith.extf %convert_element_type3A_17 : vector<16x2048xbf16> to vector<16x2048xf32>
    %broadcast_in_dim3A_19 = arith.constant -1.000000e+00 : f32
    %broadcast_in_dim3A_20 = vector.broadcast %broadcast_in_dim3A_19 : f32 to vector<1x1xf32>
    %dot_general3A_21 = arith.constant dense<0.000000e+00> : vector<1x2048xf32>
    %dot_general3A_22 = tpu.matmul %broadcast_in_dim3A_20, %broadcast_in_dim3A, %dot_general3A_21 {dimension_numbers = #tpu.dot_dimension_numbers<[1], [1], [0], [0], [0, 0, 1, 0], [], []>, precision = #tpu.contract_precision<fp32>, transpose_lhs_hint = false} : vector<1x1xf32>, vector<2048x1xf32>, vector<1x2048xf32> -> vector<1x2048xf32>
    %slice3A = vector.extract_strided_slice %sub3A_7 {offsets = [0, 0], sizes = [128, 1024], strides = [1, 1]} : vector<2048x1024xf32> to vector<128x1024xf32>
    %reduce_max3A = arith.constant dense<0xFF800000> : vector<1024xf32>
    %reduce_max3A_23 = vector.multi_reduction <maximumf>, %slice3A, %reduce_max3A [0] : vector<128x1024xf32> to vector<1024xf32>
    %swap3A = arith.constant 0 : index
    %swap3A_24 = arith.constant 0 : index
    %swap3A_25 = arith.constant 0 : index
    %swap3A_26 = vector.load %arg3[%swap3A, %swap3A_24, %swap3A_25] : memref<16x1x1024xf32, #tpu.memory_space<vmem>>, vector<1x1x1024xf32>
    %swap3A_27 = vector.shape_cast %swap3A_26 : vector<1x1x1024xf32> to vector<1024xf32>
    %swap3A_28 = vector.shape_cast %reduce_max3A_23 : vector<1024xf32> to vector<1x1x1024xf32>
    tpu.vector_store %arg3[%swap3A, %swap3A_24, %swap3A_25], %swap3A_28 {strides = array<i32>} : memref<16x1x1024xf32, #tpu.memory_space<vmem>>, vector<1x1x1024xf32>,
    %slice3A_29 = vector.extract_strided_slice %convert_element_type3A_18 {offsets = [0, 0], sizes = [16, 128], strides = [1, 1]} : vector<16x2048xf32> to vector<16x128xf32>
    %swap3A_30 = arith.constant 0 : index
    %swap3A_31 = arith.constant 0 : index
    %swap3A_32 = arith.constant 0 : index
    %swap3A_33 = vector.load %arg4[%swap3A_30, %swap3A_31, %swap3A_32] : memref<16x24x128xf32, #tpu.memory_space<vmem>>, vector<1x16x128xf32>
    %swap3A_34 = vector.shape_cast %swap3A_33 : vector<1x16x128xf32> to vector<16x128xf32>
    %swap3A_35 = vector.shape_cast %slice3A_29 : vector<16x128xf32> to vector<1x16x128xf32>
    tpu.vector_store %arg4[%swap3A_30, %swap3A_31, %swap3A_32], %swap3A_35 {strides = array<i32>} : memref<16x24x128xf32, #tpu.memory_space<vmem>>, vector<1x16x128xf32>,
    %slice3A_36 = vector.extract_strided_slice %dot_general3A_22 {offsets = [0, 0], sizes = [1, 128], strides = [1, 1]} : vector<1x2048xf32> to vector<1x128xf32>
    %swap3A_37 = arith.constant 0 : index
    %swap3A_38 = arith.constant 16 : index
    %swap3A_39 = arith.constant 0 : index
    %swap3A_40 = vector.load %arg4[%swap3A_37, %swap3A_38, %swap3A_39] : memref<16x24x128xf32, #tpu.memory_space<vmem>>, vector<1x1x128xf32>
    %swap3A_41 = vector.shape_cast %swap3A_40 : vector<1x1x128xf32> to vector<1x128xf32>
    %swap3A_42 = vector.shape_cast %slice3A_36 : vector<1x128xf32> to vector<1x1x128xf32>
    tpu.vector_store %arg4[%swap3A_37, %swap3A_38, %swap3A_39], %swap3A_42 {strides = array<i32>} : memref<16x24x128xf32, #tpu.memory_space<vmem>>, vector<1x1x128xf32>,
    %slice3A_43 = vector.extract_strided_slice %sub3A_7 {offsets = [128, 0], sizes = [128, 1024], strides = [1, 1]} : vector<2048x1024xf32> to vector<128x1024xf32>
    %reduce_max3A_44 = arith.constant dense<0xFF800000> : vector<1024xf32>
    %reduce_max3A_45 = vector.multi_reduction <maximumf>, %slice3A_43, %reduce_max3A_44 [0] : vector<128x1024xf32> to vector<1024xf32>
    %swap3A_46 = arith.constant 1 : index
    %swap3A_47 = arith.constant 0 : index
    %swap3A_48 = arith.constant 0 : index
    %swap3A_49 = vector.load %arg3[%swap3A_46, %swap3A_47, %swap3A_48] : memref<16x1x1024xf32, #tpu.memory_space<vmem>>, vector<1x1x1024xf32>
    %swap3A_50 = vector.shape_cast %swap3A_49 : vector<1x1x1024xf32> to vector<1024xf32>
    %swap3A_51 = vector.shape_cast %reduce_max3A_45 : vector<1024xf32> to vector<1x1x1024xf32>
    tpu.vector_store %arg3[%swap3A_46, %swap3A_47, %swap3A_48], %swap3A_51 {strides = array<i32>} : memref<16x1x1024xf32, #tpu.memory_space<vmem>>, vector<1x1x1024xf32>,
    %slice3A_52 = vector.extract_strided_slice %convert_element_type3A_18 {offsets = [0, 128], sizes = [16, 128], strides = [1, 1]} : vector<16x2048xf32> to vector<16x128xf32>
    %swap3A_53 = arith.constant 1 : index
    %swap3A_54 = arith.constant 0 : index
    %swap3A_55 = arith.constant 0 : index
    %swap3A_56 = vector.load %arg4[%swap3A_53, %swap3A_54, %swap3A_55] : memref<16x24x128xf32, #tpu.memory_space<vmem>>, vector<1x16x128xf32>
    %swap3A_57 = vector.shape_cast %swap3A_56 : vector<1x16x128xf32> to vector<16x128xf32>
    %swap3A_58 = vector.shape_cast %slice3A_52 : vector<16x128xf32> to vector<1x16x128xf32>
    tpu.vector_store %arg4[%swap3A_53, %swap3A_54, %swap3A_55], %swap3A_58 {strides = array<i32>} : memref<16x24x128xf32, #tpu.memory_space<vmem>>, vector<1x16x128xf32>,
    %slice3A_59 = vector.extract_strided_slice %dot_general3A_22 {offsets = [0, 128], sizes = [1, 128], strides = [1, 1]} : vector<1x2048xf32> to vector<1x128xf32>
    %swap3A_60 = arith.constant 1 : index
    %swap3A_61 = arith.constant 16 : index
    %swap3A_62 = arith.constant 0 : index
    %swap3A_63 = vector.load %arg4[%swap3A_60, %swap3A_61, %swap3A_62] : memref<16x24x128xf32, #tpu.memory_space<vmem>>, vector<1x1x128xf32>
    %swap3A_64 = vector.shape_cast %swap3A_63 : vector<1x1x128xf32> to vector<1x128xf32>
    %swap3A_65 = vector.shape_cast %slice3A_59 : vector<1x128xf32> to vector<1x1x128xf32>
    tpu.vector_store %arg4[%swap3A_60, %swap3A_61, %swap3A_62], %swap3A_65 {strides = array<i32>} : memref<16x24x128xf32, #tpu.memory_space<vmem>>, vector<1x1x128xf32>,
    %slice3A_66 = vector.extract_strided_slice %sub3A_7 {offsets = [256, 0], sizes = [128, 1024], strides = [1, 1]} : vector<2048x1024xf32> to vector<128x1024xf32>
    %reduce_max3A_67 = arith.constant dense<0xFF800000> : vector<1024xf32>
    %reduce_max3A_68 = vector.multi_reduction <maximumf>, %slice3A_66, %reduce_max3A_67 [0] : vector<128x1024xf32> to vector<1024xf32>
    %swap3A_69 = arith.constant 2 : index
    %swap3A_70 = arith.constant 0 : index
    %swap3A_71 = arith.constant 0 : index
    %swap3A_72 = vector.load %arg3[%swap3A_69, %swap3A_70, %swap3A_71] : memref<16x1x1024xf32, #tpu.memory_space<vmem>>, vector<1x1x1024xf32>
    %swap3A_73 = vector.shape_cast %swap3A_72 : vector<1x1x1024xf32> to vector<1024xf32>
    %swap3A_74 = vector.shape_cast %reduce_max3A_68 : vector<1024xf32> to vector<1x1x1024xf32>
    tpu.vector_store %arg3[%swap3A_69, %swap3A_70, %swap3A_71], %swap3A_74 {strides = array<i32>} : memref<16x1x1024xf32, #tpu.memory_space<vmem>>, vector<1x1x1024xf32>,
    %slice3A_75 = vector.extract_strided_slice %convert_element_type3A_18 {offsets = [0, 256], sizes = [16, 128], strides = [1, 1]} : vector<16x2048xf32> to vector<16x128xf32>
    %swap3A_76 = arith.constant 2 : index
    %swap3A_77 = arith.constant 0 : index
    %swap3A_78 = arith.constant 0 : index
    %swap3A_79 = vector.load %arg4[%swap3A_76, %swap3A_77, %swap3A_78] : memref<16x24x128xf32, #tpu.memory_space<vmem>>, vector<1x16x128xf32>
    %swap3A_80 = vector.shape_cast %swap3A_79 : vector<1x16x128xf32> to vector<16x128xf32>
    %swap3A_81 = vector.shape_cast %slice3A_75 : vector<16x128xf32> to vector<1x16x128xf32>
    tpu.vector_store %arg4[%swap3A_76, %swap3A_77, %swap3A_78], %swap3A_81 {strides = array<i32>} : memref<16x24x128xf32, #tpu.memory_space<vmem>>, vector<1x16x128xf32>,
    %slice3A_82 = vector.extract_strided_slice %dot_general3A_22 {offsets = [0, 256], sizes = [1, 128], strides = [1, 1]} : vector<1x2048xf32> to vector<1x128xf32>
    %swap3A_83 = arith.constant 2 : index
    %swap3A_84 = arith.constant 16 : index
    %swap3A_85 = arith.constant 0 : index
    %swap3A_86 = vector.load %arg4[%swap3A_83, %swap3A_84, %swap3A_85] : memref<16x24x128xf32, #tpu.memory_space<vmem>>, vector<1x1x128xf32>
    %swap3A_87 = vector.shape_cast %swap3A_86 : vector<1x1x128xf32> to vector<1x128xf32>
    %swap3A_88 = vector.shape_cast %slice3A_82 : vector<1x128xf32> to vector<1x1x128xf32>
    tpu.vector_store %arg4[%swap3A_83, %swap3A_84, %swap3A_85], %swap3A_88 {strides = array<i32>} : memref<16x24x128xf32, #tpu.memory_space<vmem>>, vector<1x1x128xf32>,
    %slice3A_89 = vector.extract_strided_slice %sub3A_7 {offsets = [384, 0], sizes = [128, 1024], strides = [1, 1]} : vector<2048x1024xf32> to vector<128x1024xf32>
    %reduce_max3A_90 = arith.constant dense<0xFF800000> : vector<1024xf32>
    %reduce_max3A_91 = vector.multi_reduction <maximumf>, %slice3A_89, %reduce_max3A_90 [0] : vector<128x1024xf32> to vector<1024xf32>
    %swap3A_92 = arith.constant 3 : index
    %swap3A_93 = arith.constant 0 : index
    %swap3A_94 = arith.constant 0 : index
    %swap3A_95 = vector.load %arg3[%swap3A_92, %swap3A_93, %swap3A_94] : memref<16x1x1024xf32, #tpu.memory_space<vmem>>, vector<1x1x1024xf32>
    %swap3A_96 = vector.shape_cast %swap3A_95 : vector<1x1x1024xf32> to vector<1024xf32>
    %swap3A_97 = vector.shape_cast %reduce_max3A_91 : vector<1024xf32> to vector<1x1x1024xf32>
    tpu.vector_store %arg3[%swap3A_92, %swap3A_93, %swap3A_94], %swap3A_97 {strides = array<i32>} : memref<16x1x1024xf32, #tpu.memory_space<vmem>>, vector<1x1x1024xf32>,
    %slice3A_98 = vector.extract_strided_slice %convert_element_type3A_18 {offsets = [0, 384], sizes = [16, 128], strides = [1, 1]} : vector<16x2048xf32> to vector<16x128xf32>
    %swap3A_99 = arith.constant 3 : index
    %swap3A_100 = arith.constant 0 : index
    %swap3A_101 = arith.constant 0 : index
    %swap3A_102 = vector.load %arg4[%swap3A_99, %swap3A_100, %swap3A_101] : memref<16x24x128xf32, #tpu.memory_space<vmem>>, vector<1x16x128xf32>
    %swap3A_103 = vector.shape_cast %swap3A_102 : vector<1x16x128xf32> to vector<16x128xf32>
    %swap3A_104 = vector.shape_cast %slice3A_98 : vector<16x128xf32> to vector<1x16x128xf32>
    tpu.vector_store %arg4[%swap3A_99, %swap3A_100, %swap3A_101], %swap3A_104 {strides = array<i32>} : memref<16x24x128xf32, #tpu.memory_space<vmem>>, vector<1x16x128xf32>,
    %slice3A_105 = vector.extract_strided_slice %dot_general3A_22 {offsets = [0, 384], sizes = [1, 128], strides = [1, 1]} : vector<1x2048xf32> to vector<1x128xf32>
    %swap3A_106 = arith.constant 3 : index
    %swap3A_107 = arith.constant 16 : index
    %swap3A_108 = arith.constant 0 : index
    %swap3A_109 = vector.load %arg4[%swap3A_106, %swap3A_107, %swap3A_108] : memref<16x24x128xf32, #tpu.memory_space<vmem>>, vector<1x1x128xf32>
    %swap3A_110 = vector.shape_cast %swap3A_109 : vector<1x1x128xf32> to vector<1x128xf32>
    %swap3A_111 = vector.shape_cast %slice3A_105 : vector<1x128xf32> to vector<1x1x128xf32>
    tpu.vector_store %arg4[%swap3A_106, %swap3A_107, %swap3A_108], %swap3A_111 {strides = array<i32>} : memref<16x24x128xf32, #tpu.memory_space<vmem>>, vector<1x1x128xf32>,
    %slice3A_112 = vector.extract_strided_slice %sub3A_7 {offsets = [512, 0], sizes = [128, 1024], strides = [1, 1]} : vector<2048x1024xf32> to vector<128x1024xf32>
    %reduce_max3A_113 = arith.constant dense<0xFF800000> : vector<1024xf32>
    %reduce_max3A_114 = vector.multi_reduction <maximumf>, %slice3A_112, %reduce_max3A_113 [0] : vector<128x1024xf32> to vector<1024xf32>
    %swap3A_115 = arith.constant 4 : index
    %swap3A_116 = arith.constant 0 : index
    %swap3A_117 = arith.constant 0 : index
    %swap3A_118 = vector.load %arg3[%swap3A_115, %swap3A_116, %swap3A_117] : memref<16x1x1024xf32, #tpu.memory_space<vmem>>, vector<1x1x1024xf32>
    %swap3A_119 = vector.shape_cast %swap3A_118 : vector<1x1x1024xf32> to vector<1024xf32>
    %swap3A_120 = vector.shape_cast %reduce_max3A_114 : vector<1024xf32> to vector<1x1x1024xf32>
    tpu.vector_store %arg3[%swap3A_115, %swap3A_116, %swap3A_117], %swap3A_120 {strides = array<i32>} : memref<16x1x1024xf32, #tpu.memory_space<vmem>>, vector<1x1x1024xf32>,
    %slice3A_121 = vector.extract_strided_slice %convert_element_type3A_18 {offsets = [0, 512], sizes = [16, 128], strides = [1, 1]} : vector<16x2048xf32> to vector<16x128xf32>
    %swap3A_122 = arith.constant 4 : index
    %swap3A_123 = arith.constant 0 : index
    %swap3A_124 = arith.constant 0 : index
    %swap3A_125 = vector.load %arg4[%swap3A_122, %swap3A_123, %swap3A_124] : memref<16x24x128xf32, #tpu.memory_space<vmem>>, vector<1x16x128xf32>
    %swap3A_126 = vector.shape_cast %swap3A_125 : vector<1x16x128xf32> to vector<16x128xf32>
    %swap3A_127 = vector.shape_cast %slice3A_121 : vector<16x128xf32> to vector<1x16x128xf32>
    tpu.vector_store %arg4[%swap3A_122, %swap3A_123, %swap3A_124], %swap3A_127 {strides = array<i32>} : memref<16x24x128xf32, #tpu.memory_space<vmem>>, vector<1x16x128xf32>,
    %slice3A_128 = vector.extract_strided_slice %dot_general3A_22 {offsets = [0, 512], sizes = [1, 128], strides = [1, 1]} : vector<1x2048xf32> to vector<1x128xf32>
    %swap3A_129 = arith.constant 4 : index
    %swap3A_130 = arith.constant 16 : index
    %swap3A_131 = arith.constant 0 : index
    %swap3A_132 = vector.load %arg4[%swap3A_129, %swap3A_130, %swap3A_131] : memref<16x24x128xf32, #tpu.memory_space<vmem>>, vector<1x1x128xf32>
    %swap3A_133 = vector.shape_cast %swap3A_132 : vector<1x1x128xf32> to vector<1x128xf32>
    %swap3A_134 = vector.shape_cast %slice3A_128 : vector<1x128xf32> to vector<1x1x128xf32>
    tpu.vector_store %arg4[%swap3A_129, %swap3A_130, %swap3A_131], %swap3A_134 {strides = array<i32>} : memref<16x24x128xf32, #tpu.memory_space<vmem>>, vector<1x1x128xf32>,
    %slice3A_135 = vector.extract_strided_slice %sub3A_7 {offsets = [640, 0], sizes = [128, 1024], strides = [1, 1]} : vector<2048x1024xf32> to vector<128x1024xf32>
    %reduce_max3A_136 = arith.constant dense<0xFF800000> : vector<1024xf32>
    %reduce_max3A_137 = vector.multi_reduction <maximumf>, %slice3A_135, %reduce_max3A_136 [0] : vector<128x1024xf32> to vector<1024xf32>
    %swap3A_138 = arith.constant 5 : index
    %swap3A_139 = arith.constant 0 : index
    %swap3A_140 = arith.constant 0 : index
    %swap3A_141 = vector.load %arg3[%swap3A_138, %swap3A_139, %swap3A_140] : memref<16x1x1024xf32, #tpu.memory_space<vmem>>, vector<1x1x1024xf32>
    %swap3A_142 = vector.shape_cast %swap3A_141 : vector<1x1x1024xf32> to vector<1024xf32>
    %swap3A_143 = vector.shape_cast %reduce_max3A_137 : vector<1024xf32> to vector<1x1x1024xf32>
    tpu.vector_store %arg3[%swap3A_138, %swap3A_139, %swap3A_140], %swap3A_143 {strides = array<i32>} : memref<16x1x1024xf32, #tpu.memory_space<vmem>>, vector<1x1x1024xf32>,
    %slice3A_144 = vector.extract_strided_slice %convert_element_type3A_18 {offsets = [0, 640], sizes = [16, 128], strides = [1, 1]} : vector<16x2048xf32> to vector<16x128xf32>
    %swap3A_145 = arith.constant 5 : index
    %swap3A_146 = arith.constant 0 : index
    %swap3A_147 = arith.constant 0 : index
    %swap3A_148 = vector.load %arg4[%swap3A_145, %swap3A_146, %swap3A_147] : memref<16x24x128xf32, #tpu.memory_space<vmem>>, vector<1x16x128xf32>
    %swap3A_149 = vector.shape_cast %swap3A_148 : vector<1x16x128xf32> to vector<16x128xf32>
    %swap3A_150 = vector.shape_cast %slice3A_144 : vector<16x128xf32> to vector<1x16x128xf32>
    tpu.vector_store %arg4[%swap3A_145, %swap3A_146, %swap3A_147], %swap3A_150 {strides = array<i32>} : memref<16x24x128xf32, #tpu.memory_space<vmem>>, vector<1x16x128xf32>,
    %slice3A_151 = vector.extract_strided_slice %dot_general3A_22 {offsets = [0, 640], sizes = [1, 128], strides = [1, 1]} : vector<1x2048xf32> to vector<1x128xf32>
    %swap3A_152 = arith.constant 5 : index
    %swap3A_153 = arith.constant 16 : index
    %swap3A_154 = arith.constant 0 : index
    %swap3A_155 = vector.load %arg4[%swap3A_152, %swap3A_153, %swap3A_154] : memref<16x24x128xf32, #tpu.memory_space<vmem>>, vector<1x1x128xf32>
    %swap3A_156 = vector.shape_cast %swap3A_155 : vector<1x1x128xf32> to vector<1x128xf32>
    %swap3A_157 = vector.shape_cast %slice3A_151 : vector<1x128xf32> to vector<1x1x128xf32>
    tpu.vector_store %arg4[%swap3A_152, %swap3A_153, %swap3A_154], %swap3A_157 {strides = array<i32>} : memref<16x24x128xf32, #tpu.memory_space<vmem>>, vector<1x1x128xf32>,
    %slice3A_158 = vector.extract_strided_slice %sub3A_7 {offsets = [768, 0], sizes = [128, 1024], strides = [1, 1]} : vector<2048x1024xf32> to vector<128x1024xf32>
    %reduce_max3A_159 = arith.constant dense<0xFF800000> : vector<1024xf32>
    %reduce_max3A_160 = vector.multi_reduction <maximumf>, %slice3A_158, %reduce_max3A_159 [0] : vector<128x1024xf32> to vector<1024xf32>
    %swap3A_161 = arith.constant 6 : index
    %swap3A_162 = arith.constant 0 : index
    %swap3A_163 = arith.constant 0 : index
    %swap3A_164 = vector.load %arg3[%swap3A_161, %swap3A_162, %swap3A_163] : memref<16x1x1024xf32, #tpu.memory_space<vmem>>, vector<1x1x1024xf32>
    %swap3A_165 = vector.shape_cast %swap3A_164 : vector<1x1x1024xf32> to vector<1024xf32>
    %swap3A_166 = vector.shape_cast %reduce_max3A_160 : vector<1024xf32> to vector<1x1x1024xf32>
    tpu.vector_store %arg3[%swap3A_161, %swap3A_162, %swap3A_163], %swap3A_166 {strides = array<i32>} : memref<16x1x1024xf32, #tpu.memory_space<vmem>>, vector<1x1x1024xf32>,
    %slice3A_167 = vector.extract_strided_slice %convert_element_type3A_18 {offsets = [0, 768], sizes = [16, 128], strides = [1, 1]} : vector<16x2048xf32> to vector<16x128xf32>
    %swap3A_168 = arith.constant 6 : index
    %swap3A_169 = arith.constant 0 : index
    %swap3A_170 = arith.constant 0 : index
    %swap3A_171 = vector.load %arg4[%swap3A_168, %swap3A_169, %swap3A_170] : memref<16x24x128xf32, #tpu.memory_space<vmem>>, vector<1x16x128xf32>
    %swap3A_172 = vector.shape_cast %swap3A_171 : vector<1x16x128xf32> to vector<16x128xf32>
    %swap3A_173 = vector.shape_cast %slice3A_167 : vector<16x128xf32> to vector<1x16x128xf32>
    tpu.vector_store %arg4[%swap3A_168, %swap3A_169, %swap3A_170], %swap3A_173 {strides = array<i32>} : memref<16x24x128xf32, #tpu.memory_space<vmem>>, vector<1x16x128xf32>,
    %slice3A_174 = vector.extract_strided_slice %dot_general3A_22 {offsets = [0, 768], sizes = [1, 128], strides = [1, 1]} : vector<1x2048xf32> to vector<1x128xf32>
    %swap3A_175 = arith.constant 6 : index
    %swap3A_176 = arith.constant 16 : index
    %swap3A_177 = arith.constant 0 : index
    %swap3A_178 = vector.load %arg4[%swap3A_175, %swap3A_176, %swap3A_177] : memref<16x24x128xf32, #tpu.memory_space<vmem>>, vector<1x1x128xf32>
    %swap3A_179 = vector.shape_cast %swap3A_178 : vector<1x1x128xf32> to vector<1x128xf32>
    %swap3A_180 = vector.shape_cast %slice3A_174 : vector<1x128xf32> to vector<1x1x128xf32>
    tpu.vector_store %arg4[%swap3A_175, %swap3A_176, %swap3A_177], %swap3A_180 {strides = array<i32>} : memref<16x24x128xf32, #tpu.memory_space<vmem>>, vector<1x1x128xf32>,
    %slice3A_181 = vector.extract_strided_slice %sub3A_7 {offsets = [896, 0], sizes = [128, 1024], strides = [1, 1]} : vector<2048x1024xf32> to vector<128x1024xf32>
    %reduce_max3A_182 = arith.constant dense<0xFF800000> : vector<1024xf32>
    %reduce_max3A_183 = vector.multi_reduction <maximumf>, %slice3A_181, %reduce_max3A_182 [0] : vector<128x1024xf32> to vector<1024xf32>
    %swap3A_184 = arith.constant 7 : index
    %swap3A_185 = arith.constant 0 : index
    %swap3A_186 = arith.constant 0 : index
    %swap3A_187 = vector.load %arg3[%swap3A_184, %swap3A_185, %swap3A_186] : memref<16x1x1024xf32, #tpu.memory_space<vmem>>, vector<1x1x1024xf32>
    %swap3A_188 = vector.shape_cast %swap3A_187 : vector<1x1x1024xf32> to vector<1024xf32>
    %swap3A_189 = vector.shape_cast %reduce_max3A_183 : vector<1024xf32> to vector<1x1x1024xf32>
    tpu.vector_store %arg3[%swap3A_184, %swap3A_185, %swap3A_186], %swap3A_189 {strides = array<i32>} : memref<16x1x1024xf32, #tpu.memory_space<vmem>>, vector<1x1x1024xf32>,
    %slice3A_190 = vector.extract_strided_slice %convert_element_type3A_18 {offsets = [0, 896], sizes = [16, 128], strides = [1, 1]} : vector<16x2048xf32> to vector<16x128xf32>
    %swap3A_191 = arith.constant 7 : index
    %swap3A_192 = arith.constant 0 : index
    %swap3A_193 = arith.constant 0 : index
    %swap3A_194 = vector.load %arg4[%swap3A_191, %swap3A_192, %swap3A_193] : memref<16x24x128xf32, #tpu.memory_space<vmem>>, vector<1x16x128xf32>
    %swap3A_195 = vector.shape_cast %swap3A_194 : vector<1x16x128xf32> to vector<16x128xf32>
    %swap3A_196 = vector.shape_cast %slice3A_190 : vector<16x128xf32> to vector<1x16x128xf32>
    tpu.vector_store %arg4[%swap3A_191, %swap3A_192, %swap3A_193], %swap3A_196 {strides = array<i32>} : memref<16x24x128xf32, #tpu.memory_space<vmem>>, vector<1x16x128xf32>,
    %slice3A_197 = vector.extract_strided_slice %dot_general3A_22 {offsets = [0, 896], sizes = [1, 128], strides = [1, 1]} : vector<1x2048xf32> to vector<1x128xf32>
    %swap3A_198 = arith.constant 7 : index
    %swap3A_199 = arith.constant 16 : index
    %swap3A_200 = arith.constant 0 : index
    %swap3A_201 = vector.load %arg4[%swap3A_198, %swap3A_199, %swap3A_200] : memref<16x24x128xf32, #tpu.memory_space<vmem>>, vector<1x1x128xf32>
    %swap3A_202 = vector.shape_cast %swap3A_201 : vector<1x1x128xf32> to vector<1x128xf32>
    %swap3A_203 = vector.shape_cast %slice3A_197 : vector<1x128xf32> to vector<1x1x128xf32>
    tpu.vector_store %arg4[%swap3A_198, %swap3A_199, %swap3A_200], %swap3A_203 {strides = array<i32>} : memref<16x24x128xf32, #tpu.memory_space<vmem>>, vector<1x1x128xf32>,
    %slice3A_204 = vector.extract_strided_slice %sub3A_7 {offsets = [1024, 0], sizes = [128, 1024], strides = [1, 1]} : vector<2048x1024xf32> to vector<128x1024xf32>
    %reduce_max3A_205 = arith.constant dense<0xFF800000> : vector<1024xf32>
    %reduce_max3A_206 = vector.multi_reduction <maximumf>, %slice3A_204, %reduce_max3A_205 [0] : vector<128x1024xf32> to vector<1024xf32>
    %swap3A_207 = arith.constant 8 : index
    %swap3A_208 = arith.constant 0 : index
    %swap3A_209 = arith.constant 0 : index
    %swap3A_210 = vector.load %arg3[%swap3A_207, %swap3A_208, %swap3A_209] : memref<16x1x1024xf32, #tpu.memory_space<vmem>>, vector<1x1x1024xf32>
    %swap3A_211 = vector.shape_cast %swap3A_210 : vector<1x1x1024xf32> to vector<1024xf32>
    %swap3A_212 = vector.shape_cast %reduce_max3A_206 : vector<1024xf32> to vector<1x1x1024xf32>
    tpu.vector_store %arg3[%swap3A_207, %swap3A_208, %swap3A_209], %swap3A_212 {strides = array<i32>} : memref<16x1x1024xf32, #tpu.memory_space<vmem>>, vector<1x1x1024xf32>,
    %slice3A_213 = vector.extract_strided_slice %convert_element_type3A_18 {offsets = [0, 1024], sizes = [16, 128], strides = [1, 1]} : vector<16x2048xf32> to vector<16x128xf32>
    %swap3A_214 = arith.constant 8 : index
    %swap3A_215 = arith.constant 0 : index
    %swap3A_216 = arith.constant 0 : index
    %swap3A_217 = vector.load %arg4[%swap3A_214, %swap3A_215, %swap3A_216] : memref<16x24x128xf32, #tpu.memory_space<vmem>>, vector<1x16x128xf32>
    %swap3A_218 = vector.shape_cast %swap3A_217 : vector<1x16x128xf32> to vector<16x128xf32>
    %swap3A_219 = vector.shape_cast %slice3A_213 : vector<16x128xf32> to vector<1x16x128xf32>
    tpu.vector_store %arg4[%swap3A_214, %swap3A_215, %swap3A_216], %swap3A_219 {strides = array<i32>} : memref<16x24x128xf32, #tpu.memory_space<vmem>>, vector<1x16x128xf32>,
    %slice3A_220 = vector.extract_strided_slice %dot_general3A_22 {offsets = [0, 1024], sizes = [1, 128], strides = [1, 1]} : vector<1x2048xf32> to vector<1x128xf32>
    %swap3A_221 = arith.constant 8 : index
    %swap3A_222 = arith.constant 16 : index
    %swap3A_223 = arith.constant 0 : index
    %swap3A_224 = vector.load %arg4[%swap3A_221, %swap3A_222, %swap3A_223] : memref<16x24x128xf32, #tpu.memory_space<vmem>>, vector<1x1x128xf32>
    %swap3A_225 = vector.shape_cast %swap3A_224 : vector<1x1x128xf32> to vector<1x128xf32>
    %swap3A_226 = vector.shape_cast %slice3A_220 : vector<1x128xf32> to vector<1x1x128xf32>
    tpu.vector_store %arg4[%swap3A_221, %swap3A_222, %swap3A_223], %swap3A_226 {strides = array<i32>} : memref<16x24x128xf32, #tpu.memory_space<vmem>>, vector<1x1x128xf32>,
    %slice3A_227 = vector.extract_strided_slice %sub3A_7 {offsets = [1152, 0], sizes = [128, 1024], strides = [1, 1]} : vector<2048x1024xf32> to vector<128x1024xf32>
    %reduce_max3A_228 = arith.constant dense<0xFF800000> : vector<1024xf32>
    %reduce_max3A_229 = vector.multi_reduction <maximumf>, %slice3A_227, %reduce_max3A_228 [0] : vector<128x1024xf32> to vector<1024xf32>
    %swap3A_230 = arith.constant 9 : index
    %swap3A_231 = arith.constant 0 : index
    %swap3A_232 = arith.constant 0 : index
    %swap3A_233 = vector.load %arg3[%swap3A_230, %swap3A_231, %swap3A_232] : memref<16x1x1024xf32, #tpu.memory_space<vmem>>, vector<1x1x1024xf32>
    %swap3A_234 = vector.shape_cast %swap3A_233 : vector<1x1x1024xf32> to vector<1024xf32>
    %swap3A_235 = vector.shape_cast %reduce_max3A_229 : vector<1024xf32> to vector<1x1x1024xf32>
    tpu.vector_store %arg3[%swap3A_230, %swap3A_231, %swap3A_232], %swap3A_235 {strides = array<i32>} : memref<16x1x1024xf32, #tpu.memory_space<vmem>>, vector<1x1x1024xf32>,
    %slice3A_236 = vector.extract_strided_slice %convert_element_type3A_18 {offsets = [0, 1152], sizes = [16, 128], strides = [1, 1]} : vector<16x2048xf32> to vector<16x128xf32>
    %swap3A_237 = arith.constant 9 : index
    %swap3A_238 = arith.constant 0 : index
    %swap3A_239 = arith.constant 0 : index
    %swap3A_240 = vector.load %arg4[%swap3A_237, %swap3A_238, %swap3A_239] : memref<16x24x128xf32, #tpu.memory_space<vmem>>, vector<1x16x128xf32>
    %swap3A_241 = vector.shape_cast %swap3A_240 : vector<1x16x128xf32> to vector<16x128xf32>
    %swap3A_242 = vector.shape_cast %slice3A_236 : vector<16x128xf32> to vector<1x16x128xf32>
    tpu.vector_store %arg4[%swap3A_237, %swap3A_238, %swap3A_239], %swap3A_242 {strides = array<i32>} : memref<16x24x128xf32, #tpu.memory_space<vmem>>, vector<1x16x128xf32>,
    %slice3A_243 = vector.extract_strided_slice %dot_general3A_22 {offsets = [0, 1152], sizes = [1, 128], strides = [1, 1]} : vector<1x2048xf32> to vector<1x128xf32>
    %swap3A_244 = arith.constant 9 : index
    %swap3A_245 = arith.constant 16 : index
    %swap3A_246 = arith.constant 0 : index
    %swap3A_247 = vector.load %arg4[%swap3A_244, %swap3A_245, %swap3A_246] : memref<16x24x128xf32, #tpu.memory_space<vmem>>, vector<1x1x128xf32>
    %swap3A_248 = vector.shape_cast %swap3A_247 : vector<1x1x128xf32> to vector<1x128xf32>
    %swap3A_249 = vector.shape_cast %slice3A_243 : vector<1x128xf32> to vector<1x1x128xf32>
    tpu.vector_store %arg4[%swap3A_244, %swap3A_245, %swap3A_246], %swap3A_249 {strides = array<i32>} : memref<16x24x128xf32, #tpu.memory_space<vmem>>, vector<1x1x128xf32>,
    %slice3A_250 = vector.extract_strided_slice %sub3A_7 {offsets = [1280, 0], sizes = [128, 1024], strides = [1, 1]} : vector<2048x1024xf32> to vector<128x1024xf32>
    %reduce_max3A_251 = arith.constant dense<0xFF800000> : vector<1024xf32>
    %reduce_max3A_252 = vector.multi_reduction <maximumf>, %slice3A_250, %reduce_max3A_251 [0] : vector<128x1024xf32> to vector<1024xf32>
    %swap3A_253 = arith.constant 10 : index
    %swap3A_254 = arith.constant 0 : index
    %swap3A_255 = arith.constant 0 : index
    %swap3A_256 = vector.load %arg3[%swap3A_253, %swap3A_254, %swap3A_255] : memref<16x1x1024xf32, #tpu.memory_space<vmem>>, vector<1x1x1024xf32>
    %swap3A_257 = vector.shape_cast %swap3A_256 : vector<1x1x1024xf32> to vector<1024xf32>
    %swap3A_258 = vector.shape_cast %reduce_max3A_252 : vector<1024xf32> to vector<1x1x1024xf32>
    tpu.vector_store %arg3[%swap3A_253, %swap3A_254, %swap3A_255], %swap3A_258 {strides = array<i32>} : memref<16x1x1024xf32, #tpu.memory_space<vmem>>, vector<1x1x1024xf32>,
    %slice3A_259 = vector.extract_strided_slice %convert_element_type3A_18 {offsets = [0, 1280], sizes = [16, 128], strides = [1, 1]} : vector<16x2048xf32> to vector<16x128xf32>
    %swap3A_260 = arith.constant 10 : index
    %swap3A_261 = arith.constant 0 : index
    %swap3A_262 = arith.constant 0 : index
    %swap3A_263 = vector.load %arg4[%swap3A_260, %swap3A_261, %swap3A_262] : memref<16x24x128xf32, #tpu.memory_space<vmem>>, vector<1x16x128xf32>
    %swap3A_264 = vector.shape_cast %swap3A_263 : vector<1x16x128xf32> to vector<16x128xf32>
    %swap3A_265 = vector.shape_cast %slice3A_259 : vector<16x128xf32> to vector<1x16x128xf32>
    tpu.vector_store %arg4[%swap3A_260, %swap3A_261, %swap3A_262], %swap3A_265 {strides = array<i32>} : memref<16x24x128xf32, #tpu.memory_space<vmem>>, vector<1x16x128xf32>,
    %slice3A_266 = vector.extract_strided_slice %dot_general3A_22 {offsets = [0, 1280], sizes = [1, 128], strides = [1, 1]} : vector<1x2048xf32> to vector<1x128xf32>
    %swap3A_267 = arith.constant 10 : index
    %swap3A_268 = arith.constant 16 : index
    %swap3A_269 = arith.constant 0 : index
    %swap3A_270 = vector.load %arg4[%swap3A_267, %swap3A_268, %swap3A_269] : memref<16x24x128xf32, #tpu.memory_space<vmem>>, vector<1x1x128xf32>
    %swap3A_271 = vector.shape_cast %swap3A_270 : vector<1x1x128xf32> to vector<1x128xf32>
    %swap3A_272 = vector.shape_cast %slice3A_266 : vector<1x128xf32> to vector<1x1x128xf32>
    tpu.vector_store %arg4[%swap3A_267, %swap3A_268, %swap3A_269], %swap3A_272 {strides = array<i32>} : memref<16x24x128xf32, #tpu.memory_space<vmem>>, vector<1x1x128xf32>,
    %slice3A_273 = vector.extract_strided_slice %sub3A_7 {offsets = [1408, 0], sizes = [128, 1024], strides = [1, 1]} : vector<2048x1024xf32> to vector<128x1024xf32>
    %reduce_max3A_274 = arith.constant dense<0xFF800000> : vector<1024xf32>
    %reduce_max3A_275 = vector.multi_reduction <maximumf>, %slice3A_273, %reduce_max3A_274 [0] : vector<128x1024xf32> to vector<1024xf32>
    %swap3A_276 = arith.constant 11 : index
    %swap3A_277 = arith.constant 0 : index
    %swap3A_278 = arith.constant 0 : index
    %swap3A_279 = vector.load %arg3[%swap3A_276, %swap3A_277, %swap3A_278] : memref<16x1x1024xf32, #tpu.memory_space<vmem>>, vector<1x1x1024xf32>
    %swap3A_280 = vector.shape_cast %swap3A_279 : vector<1x1x1024xf32> to vector<1024xf32>
    %swap3A_281 = vector.shape_cast %reduce_max3A_275 : vector<1024xf32> to vector<1x1x1024xf32>
    tpu.vector_store %arg3[%swap3A_276, %swap3A_277, %swap3A_278], %swap3A_281 {strides = array<i32>} : memref<16x1x1024xf32, #tpu.memory_space<vmem>>, vector<1x1x1024xf32>,
    %slice3A_282 = vector.extract_strided_slice %convert_element_type3A_18 {offsets = [0, 1408], sizes = [16, 128], strides = [1, 1]} : vector<16x2048xf32> to vector<16x128xf32>
    %swap3A_283 = arith.constant 11 : index
    %swap3A_284 = arith.constant 0 : index
    %swap3A_285 = arith.constant 0 : index
    %swap3A_286 = vector.load %arg4[%swap3A_283, %swap3A_284, %swap3A_285] : memref<16x24x128xf32, #tpu.memory_space<vmem>>, vector<1x16x128xf32>
    %swap3A_287 = vector.shape_cast %swap3A_286 : vector<1x16x128xf32> to vector<16x128xf32>
    %swap3A_288 = vector.shape_cast %slice3A_282 : vector<16x128xf32> to vector<1x16x128xf32>
    tpu.vector_store %arg4[%swap3A_283, %swap3A_284, %swap3A_285], %swap3A_288 {strides = array<i32>} : memref<16x24x128xf32, #tpu.memory_space<vmem>>, vector<1x16x128xf32>,
    %slice3A_289 = vector.extract_strided_slice %dot_general3A_22 {offsets = [0, 1408], sizes = [1, 128], strides = [1, 1]} : vector<1x2048xf32> to vector<1x128xf32>
    %swap3A_290 = arith.constant 11 : index
    %swap3A_291 = arith.constant 16 : index
    %swap3A_292 = arith.constant 0 : index
    %swap3A_293 = vector.load %arg4[%swap3A_290, %swap3A_291, %swap3A_292] : memref<16x24x128xf32, #tpu.memory_space<vmem>>, vector<1x1x128xf32>
    %swap3A_294 = vector.shape_cast %swap3A_293 : vector<1x1x128xf32> to vector<1x128xf32>
    %swap3A_295 = vector.shape_cast %slice3A_289 : vector<1x128xf32> to vector<1x1x128xf32>
    tpu.vector_store %arg4[%swap3A_290, %swap3A_291, %swap3A_292], %swap3A_295 {strides = array<i32>} : memref<16x24x128xf32, #tpu.memory_space<vmem>>, vector<1x1x128xf32>,
    %slice3A_296 = vector.extract_strided_slice %sub3A_7 {offsets = [1536, 0], sizes = [128, 1024], strides = [1, 1]} : vector<2048x1024xf32> to vector<128x1024xf32>
    %reduce_max3A_297 = arith.constant dense<0xFF800000> : vector<1024xf32>
    %reduce_max3A_298 = vector.multi_reduction <maximumf>, %slice3A_296, %reduce_max3A_297 [0] : vector<128x1024xf32> to vector<1024xf32>
    %swap3A_299 = arith.constant 12 : index
    %swap3A_300 = arith.constant 0 : index
    %swap3A_301 = arith.constant 0 : index
    %swap3A_302 = vector.load %arg3[%swap3A_299, %swap3A_300, %swap3A_301] : memref<16x1x1024xf32, #tpu.memory_space<vmem>>, vector<1x1x1024xf32>
    %swap3A_303 = vector.shape_cast %swap3A_302 : vector<1x1x1024xf32> to vector<1024xf32>
    %swap3A_304 = vector.shape_cast %reduce_max3A_298 : vector<1024xf32> to vector<1x1x1024xf32>
    tpu.vector_store %arg3[%swap3A_299, %swap3A_300, %swap3A_301], %swap3A_304 {strides = array<i32>} : memref<16x1x1024xf32, #tpu.memory_space<vmem>>, vector<1x1x1024xf32>,
    %slice3A_305 = vector.extract_strided_slice %convert_element_type3A_18 {offsets = [0, 1536], sizes = [16, 128], strides = [1, 1]} : vector<16x2048xf32> to vector<16x128xf32>
    %swap3A_306 = arith.constant 12 : index
    %swap3A_307 = arith.constant 0 : index
    %swap3A_308 = arith.constant 0 : index
    %swap3A_309 = vector.load %arg4[%swap3A_306, %swap3A_307, %swap3A_308] : memref<16x24x128xf32, #tpu.memory_space<vmem>>, vector<1x16x128xf32>
    %swap3A_310 = vector.shape_cast %swap3A_309 : vector<1x16x128xf32> to vector<16x128xf32>
    %swap3A_311 = vector.shape_cast %slice3A_305 : vector<16x128xf32> to vector<1x16x128xf32>
    tpu.vector_store %arg4[%swap3A_306, %swap3A_307, %swap3A_308], %swap3A_311 {strides = array<i32>} : memref<16x24x128xf32, #tpu.memory_space<vmem>>, vector<1x16x128xf32>,
    %slice3A_312 = vector.extract_strided_slice %dot_general3A_22 {offsets = [0, 1536], sizes = [1, 128], strides = [1, 1]} : vector<1x2048xf32> to vector<1x128xf32>
    %swap3A_313 = arith.constant 12 : index
    %swap3A_314 = arith.constant 16 : index
    %swap3A_315 = arith.constant 0 : index
    %swap3A_316 = vector.load %arg4[%swap3A_313, %swap3A_314, %swap3A_315] : memref<16x24x128xf32, #tpu.memory_space<vmem>>, vector<1x1x128xf32>
    %swap3A_317 = vector.shape_cast %swap3A_316 : vector<1x1x128xf32> to vector<1x128xf32>
    %swap3A_318 = vector.shape_cast %slice3A_312 : vector<1x128xf32> to vector<1x1x128xf32>
    tpu.vector_store %arg4[%swap3A_313, %swap3A_314, %swap3A_315], %swap3A_318 {strides = array<i32>} : memref<16x24x128xf32, #tpu.memory_space<vmem>>, vector<1x1x128xf32>,
    %slice3A_319 = vector.extract_strided_slice %sub3A_7 {offsets = [1664, 0], sizes = [128, 1024], strides = [1, 1]} : vector<2048x1024xf32> to vector<128x1024xf32>
    %reduce_max3A_320 = arith.constant dense<0xFF800000> : vector<1024xf32>
    %reduce_max3A_321 = vector.multi_reduction <maximumf>, %slice3A_319, %reduce_max3A_320 [0] : vector<128x1024xf32> to vector<1024xf32>
    %swap3A_322 = arith.constant 13 : index
    %swap3A_323 = arith.constant 0 : index
    %swap3A_324 = arith.constant 0 : index
    %swap3A_325 = vector.load %arg3[%swap3A_322, %swap3A_323, %swap3A_324] : memref<16x1x1024xf32, #tpu.memory_space<vmem>>, vector<1x1x1024xf32>
    %swap3A_326 = vector.shape_cast %swap3A_325 : vector<1x1x1024xf32> to vector<1024xf32>
    %swap3A_327 = vector.shape_cast %reduce_max3A_321 : vector<1024xf32> to vector<1x1x1024xf32>
    tpu.vector_store %arg3[%swap3A_322, %swap3A_323, %swap3A_324], %swap3A_327 {strides = array<i32>} : memref<16x1x1024xf32, #tpu.memory_space<vmem>>, vector<1x1x1024xf32>,
    %slice3A_328 = vector.extract_strided_slice %convert_element_type3A_18 {offsets = [0, 1664], sizes = [16, 128], strides = [1, 1]} : vector<16x2048xf32> to vector<16x128xf32>
    %swap3A_329 = arith.constant 13 : index
    %swap3A_330 = arith.constant 0 : index
    %swap3A_331 = arith.constant 0 : index
    %swap3A_332 = vector.load %arg4[%swap3A_329, %swap3A_330, %swap3A_331] : memref<16x24x128xf32, #tpu.memory_space<vmem>>, vector<1x16x128xf32>
    %swap3A_333 = vector.shape_cast %swap3A_332 : vector<1x16x128xf32> to vector<16x128xf32>
    %swap3A_334 = vector.shape_cast %slice3A_328 : vector<16x128xf32> to vector<1x16x128xf32>
    tpu.vector_store %arg4[%swap3A_329, %swap3A_330, %swap3A_331], %swap3A_334 {strides = array<i32>} : memref<16x24x128xf32, #tpu.memory_space<vmem>>, vector<1x16x128xf32>,
    %slice3A_335 = vector.extract_strided_slice %dot_general3A_22 {offsets = [0, 1664], sizes = [1, 128], strides = [1, 1]} : vector<1x2048xf32> to vector<1x128xf32>
    %swap3A_336 = arith.constant 13 : index
    %swap3A_337 = arith.constant 16 : index
    %swap3A_338 = arith.constant 0 : index
    %swap3A_339 = vector.load %arg4[%swap3A_336, %swap3A_337, %swap3A_338] : memref<16x24x128xf32, #tpu.memory_space<vmem>>, vector<1x1x128xf32>
    %swap3A_340 = vector.shape_cast %swap3A_339 : vector<1x1x128xf32> to vector<1x128xf32>
    %swap3A_341 = vector.shape_cast %slice3A_335 : vector<1x128xf32> to vector<1x1x128xf32>
    tpu.vector_store %arg4[%swap3A_336, %swap3A_337, %swap3A_338], %swap3A_341 {strides = array<i32>} : memref<16x24x128xf32, #tpu.memory_space<vmem>>, vector<1x1x128xf32>,
    %slice3A_342 = vector.extract_strided_slice %sub3A_7 {offsets = [1792, 0], sizes = [128, 1024], strides = [1, 1]} : vector<2048x1024xf32> to vector<128x1024xf32>
    %reduce_max3A_343 = arith.constant dense<0xFF800000> : vector<1024xf32>
    %reduce_max3A_344 = vector.multi_reduction <maximumf>, %slice3A_342, %reduce_max3A_343 [0] : vector<128x1024xf32> to vector<1024xf32>
    %swap3A_345 = arith.constant 14 : index
    %swap3A_346 = arith.constant 0 : index
    %swap3A_347 = arith.constant 0 : index
    %swap3A_348 = vector.load %arg3[%swap3A_345, %swap3A_346, %swap3A_347] : memref<16x1x1024xf32, #tpu.memory_space<vmem>>, vector<1x1x1024xf32>
    %swap3A_349 = vector.shape_cast %swap3A_348 : vector<1x1x1024xf32> to vector<1024xf32>
    %swap3A_350 = vector.shape_cast %reduce_max3A_344 : vector<1024xf32> to vector<1x1x1024xf32>
    tpu.vector_store %arg3[%swap3A_345, %swap3A_346, %swap3A_347], %swap3A_350 {strides = array<i32>} : memref<16x1x1024xf32, #tpu.memory_space<vmem>>, vector<1x1x1024xf32>,
    %slice3A_351 = vector.extract_strided_slice %convert_element_type3A_18 {offsets = [0, 1792], sizes = [16, 128], strides = [1, 1]} : vector<16x2048xf32> to vector<16x128xf32>
    %swap3A_352 = arith.constant 14 : index
    %swap3A_353 = arith.constant 0 : index
    %swap3A_354 = arith.constant 0 : index
    %swap3A_355 = vector.load %arg4[%swap3A_352, %swap3A_353, %swap3A_354] : memref<16x24x128xf32, #tpu.memory_space<vmem>>, vector<1x16x128xf32>
    %swap3A_356 = vector.shape_cast %swap3A_355 : vector<1x16x128xf32> to vector<16x128xf32>
    %swap3A_357 = vector.shape_cast %slice3A_351 : vector<16x128xf32> to vector<1x16x128xf32>
    tpu.vector_store %arg4[%swap3A_352, %swap3A_353, %swap3A_354], %swap3A_357 {strides = array<i32>} : memref<16x24x128xf32, #tpu.memory_space<vmem>>, vector<1x16x128xf32>,
    %slice3A_358 = vector.extract_strided_slice %dot_general3A_22 {offsets = [0, 1792], sizes = [1, 128], strides = [1, 1]} : vector<1x2048xf32> to vector<1x128xf32>
    %swap3A_359 = arith.constant 14 : index
    %swap3A_360 = arith.constant 16 : index
    %swap3A_361 = arith.constant 0 : index
    %swap3A_362 = vector.load %arg4[%swap3A_359, %swap3A_360, %swap3A_361] : memref<16x24x128xf32, #tpu.memory_space<vmem>>, vector<1x1x128xf32>
    %swap3A_363 = vector.shape_cast %swap3A_362 : vector<1x1x128xf32> to vector<1x128xf32>
    %swap3A_364 = vector.shape_cast %slice3A_358 : vector<1x128xf32> to vector<1x1x128xf32>
    tpu.vector_store %arg4[%swap3A_359, %swap3A_360, %swap3A_361], %swap3A_364 {strides = array<i32>} : memref<16x24x128xf32, #tpu.memory_space<vmem>>, vector<1x1x128xf32>,
    %slice3A_365 = vector.extract_strided_slice %sub3A_7 {offsets = [1920, 0], sizes = [128, 1024], strides = [1, 1]} : vector<2048x1024xf32> to vector<128x1024xf32>
    %reduce_max3A_366 = arith.constant dense<0xFF800000> : vector<1024xf32>
    %reduce_max3A_367 = vector.multi_reduction <maximumf>, %slice3A_365, %reduce_max3A_366 [0] : vector<128x1024xf32> to vector<1024xf32>
    %swap3A_368 = arith.constant 15 : index
    %swap3A_369 = arith.constant 0 : index
    %swap3A_370 = arith.constant 0 : index
    %swap3A_371 = vector.load %arg3[%swap3A_368, %swap3A_369, %swap3A_370] : memref<16x1x1024xf32, #tpu.memory_space<vmem>>, vector<1x1x1024xf32>
    %swap3A_372 = vector.shape_cast %swap3A_371 : vector<1x1x1024xf32> to vector<1024xf32>
    %swap3A_373 = vector.shape_cast %reduce_max3A_367 : vector<1024xf32> to vector<1x1x1024xf32>
    tpu.vector_store %arg3[%swap3A_368, %swap3A_369, %swap3A_370], %swap3A_373 {strides = array<i32>} : memref<16x1x1024xf32, #tpu.memory_space<vmem>>, vector<1x1x1024xf32>,
    %slice3A_374 = vector.extract_strided_slice %convert_element_type3A_18 {offsets = [0, 1920], sizes = [16, 128], strides = [1, 1]} : vector<16x2048xf32> to vector<16x128xf32>
    %swap3A_375 = arith.constant 15 : index
    %swap3A_376 = arith.constant 0 : index
    %swap3A_377 = arith.constant 0 : index
    %swap3A_378 = vector.load %arg4[%swap3A_375, %swap3A_376, %swap3A_377] : memref<16x24x128xf32, #tpu.memory_space<vmem>>, vector<1x16x128xf32>
    %swap3A_379 = vector.shape_cast %swap3A_378 : vector<1x16x128xf32> to vector<16x128xf32>
    %swap3A_380 = vector.shape_cast %slice3A_374 : vector<16x128xf32> to vector<1x16x128xf32>
    tpu.vector_store %arg4[%swap3A_375, %swap3A_376, %swap3A_377], %swap3A_380 {strides = array<i32>} : memref<16x24x128xf32, #tpu.memory_space<vmem>>, vector<1x16x128xf32>,
    %slice3A_381 = vector.extract_strided_slice %dot_general3A_22 {offsets = [0, 1920], sizes = [1, 128], strides = [1, 1]} : vector<1x2048xf32> to vector<1x128xf32>
    %swap3A_382 = arith.constant 15 : index
    %swap3A_383 = arith.constant 16 : index
    %swap3A_384 = arith.constant 0 : index
    %swap3A_385 = vector.load %arg4[%swap3A_382, %swap3A_383, %swap3A_384] : memref<16x24x128xf32, #tpu.memory_space<vmem>>, vector<1x1x128xf32>
    %swap3A_386 = vector.shape_cast %swap3A_385 : vector<1x1x128xf32> to vector<1x128xf32>
    %swap3A_387 = vector.shape_cast %slice3A_381 : vector<1x128xf32> to vector<1x1x128xf32>
    tpu.vector_store %arg4[%swap3A_382, %swap3A_383, %swap3A_384], %swap3A_387 {strides = array<i32>} : memref<16x24x128xf32, #tpu.memory_space<vmem>>, vector<1x1x128xf32>,
    return
  }
  func.func @transform_0(%arg0: i32) -> (i32, i32) {
    %c0_i32 = arith.constant 0 : i32
    %c0_i32_0 = arith.constant 0 : i32
    %c0_i32_1 = arith.constant 0 : i32
    return %c0_i32, %c0_i32_0 : i32, i32
  }
  func.func @transform_1(%arg0: i32) -> (i32, i32) {
    %c0_i32 = arith.constant 0 : i32
    %c0_i32_0 = arith.constant 0 : i32
    return %arg0, %c0_i32 : i32, i32
  }
  func.func @transform_2(%arg0: i32) -> (i32, i32, i32) {
    %c0_i32 = arith.constant 0 : i32
    %c0_i32_0 = arith.constant 0 : i32
    %c0_i32_1 = arith.constant 0 : i32
    return %arg0, %c0_i32, %c0_i32_0 : i32, i32, i32
  }
  func.func @transform_3(%arg0: i32) -> (i32, i32, i32) {
    %c0_i32 = arith.constant 0 : i32
    %c0_i32_0 = arith.constant 0 : i32
    %c0_i32_1 = arith.constant 0 : i32
    return %arg0, %c0_i32, %c0_i32_0 : i32, i32, i32
  }
}

module attributes {stable_mosaic.version = 14 : i64} {
  func.func @_a2_body(%arg0: i32, %arg1: memref<128x1x1024xf32, #tpu.memory_space<vmem>>, %arg2: memref<1024x128xf32, #tpu.memory_space<vmem>>) attributes {dimension_semantics = [#tpu.dimension_semantics<arbitrary>], iteration_bounds = array<i64: 62>, scalar_prefetch = 0 : i64, scratch_operands = 0 : i64, tpu.core_type = #tpu.core_type<tc>, window_params = [{transform_indices = @transform_0, window_bounds = array<i64: 128, 1, 1024>}, {transform_indices = @transform_1, window_bounds = array<i64: 1024, 128>}]} {
    %get3A = arith.constant 0 : index
    %get3A_0 = arith.constant 0 : index
    %get3A_1 = arith.constant 0 : index
    %get3A_2 = vector.load %arg1[%get3A, %get3A_0, %get3A_1] : memref<128x1x1024xf32, #tpu.memory_space<vmem>>, vector<128x1x1024xf32>
    %get3A_3 = vector.shape_cast %get3A_2 : vector<128x1x1024xf32> to vector<128x1024xf32>
    %iota3A = tpu.iota {dimensions = array<i32: 0>} : vector<128x128xi32>
    %iota3A_4 = tpu.iota {dimensions = array<i32: 1>} : vector<128x128xi32>
    %add3A = arith.constant 0 : i32
    %add3A_5 = vector.broadcast %add3A : i32 to vector<128x128xi32>
    %add3A_6 = arith.addi %iota3A, %add3A_5 : vector<128x128xi32>
    %eq3A = arith.cmpi eq, %add3A_6, %iota3A_4 : vector<128x128xi32>
    %convert_element_type3A = arith.extui %eq3A : vector<128x128xi1> to vector<128x128xi32>
    %convert_element_type3A_7 = arith.sitofp %convert_element_type3A : vector<128x128xi32> to vector<128x128xf32>
    %dot_general3A = arith.constant dense<0.000000e+00> : vector<1024x128xf32>
    %dot_general3A_8 = tpu.matmul %get3A_3, %convert_element_type3A_7, %dot_general3A {dimension_numbers = #tpu.dot_dimension_numbers<[0], [0], [1], [1], [0, 1, 1, 1], [], []>, precision = #tpu.contract_precision<fp32>, transpose_lhs_hint = false} : vector<128x1024xf32>, vector<128x128xf32>, vector<1024x128xf32> -> vector<1024x128xf32>
    %swap3A = arith.constant 0 : index
    %swap3A_9 = arith.constant 0 : index
    %swap3A_10 = vector.load %arg2[%swap3A, %swap3A_9] : memref<1024x128xf32, #tpu.memory_space<vmem>>, vector<1024x128xf32>
    tpu.vector_store %arg2[%swap3A, %swap3A_9], %dot_general3A_8 {strides = array<i32>} : memref<1024x128xf32, #tpu.memory_space<vmem>>, vector<1024x128xf32>,
    return
  }
  func.func @transform_0(%arg0: i32) -> (i32, i32, i32) {
    %c0_i32 = arith.constant 0 : i32
    %c0_i32_0 = arith.constant 0 : i32
    %c0_i32_1 = arith.constant 0 : i32
    return %arg0, %c0_i32, %c0_i32_0 : i32, i32, i32
  }
  func.func @transform_1(%arg0: i32) -> (i32, i32) {
    %c0_i32 = arith.constant 0 : i32
    %c0_i32_0 = arith.constant 0 : i32
    return %c0_i32, %arg0 : i32, i32
  }
}

module attributes {stable_mosaic.version = 14 : i64} {
  func.func @_d_body(%arg0: memref<1024x16xf32, #tpu.memory_space<vmem>>, %arg1: memref<1024x160xf32, #tpu.memory_space<vmem>>, %arg2: memref<160x16xf32, #tpu.memory_space<vmem>>, %arg3: memref<1024x16xf32, #tpu.memory_space<vmem>>) attributes {dimension_semantics = [], scalar_prefetch = 0 : i64, scratch_operands = 0 : i64, tpu.core_type = #tpu.core_type<tc>} {
    %get3A = arith.constant 0 : index
    %get3A_0 = arith.constant 0 : index
    %get3A_1 = vector.load %arg0[%get3A, %get3A_0] : memref<1024x16xf32, #tpu.memory_space<vmem>>, vector<1024x16xf32>
    %get3A_2 = arith.constant 0 : index
    %get3A_3 = arith.constant 0 : index
    %get3A_4 = vector.load %arg1[%get3A_2, %get3A_3] : memref<1024x160xf32, #tpu.memory_space<vmem>>, vector<1024x160xf32>
    %get3A_5 = arith.constant 0 : index
    %get3A_6 = arith.constant 0 : index
    %get3A_7 = vector.load %arg2[%get3A_5, %get3A_6] : memref<160x16xf32, #tpu.memory_space<vmem>>, vector<160x16xf32>
    %dot_general3A = arith.constant dense<0.000000e+00> : vector<1024x16xf32>
    %dot_general3A_8 = tpu.matmul %get3A_4, %get3A_7, %dot_general3A {dimension_numbers = #tpu.dot_dimension_numbers<[1], [0], [0], [1], [0, 0, 1, 1], [], []>, transpose_lhs_hint = false} : vector<1024x160xf32>, vector<160x16xf32>, vector<1024x16xf32> -> vector<1024x16xf32>
    %add3A = arith.addf %get3A_1, %dot_general3A_8 : vector<1024x16xf32>
    %swap3A = arith.constant 0 : index
    %swap3A_9 = arith.constant 0 : index
    %swap3A_10 = vector.load %arg3[%swap3A, %swap3A_9] : memref<1024x16xf32, #tpu.memory_space<vmem>>, vector<1024x16xf32>
    tpu.vector_store %arg3[%swap3A, %swap3A_9], %add3A {strides = array<i32>} : memref<1024x16xf32, #tpu.memory_space<vmem>>, vector<1024x16xf32>,
    return
  }
}

</mosaic_0001>

<sc_bundles>
// kernel: kernel.6.cloned.1.call-start
scs
__scs_entry_jumppad:
0x0: {  	(pc) =	sbr.rel $0x88, $3  }
0x1: {  	(tag) =	ssettag $0x0;
	lr =	simm.s32 $0x1  }
0x2: {  	[smem:$0x3F9D] =	sst lr;
	_ =	strace $0xD0000000  }
0x3: {  	_ = 	snop  }
0x4: {  	_ = 	snop  }
0x5: {  	_ = 	snop  }
0x6: {  	_ = 	snop  }
0x7: {  	_ = 	snop  }
__scs_overlays_trampoline_lowered:
0x8: {  	[smem:$0x3FAC] =	sst s0  }
0x9: {  	[smem:$0x3FAD] =	sst s1  }
0xa: {  	[smem:$0x3FAE] =	sst s2  }
0xb: {  	[smem:$0x3FAF] =	sst s3  }
0xc: {  	[smem:$0x3FB0] =	sst s4  }
0xd: {  	[smem:$0x3FB1] =	sst s5  }
0xe: {  	[smem:$0x3FB2] =	sst s6  }
0xf: {  	[smem:$0x3FB3] =	sst s7  }
0x10: {  	[smem:$0x3FB4] =	sst s8  }
0x11: {  	[smem:$0x3FB5] =	sst s9;
	s0 =	simm.s32 @!p0 $0x0  }
0x12: {  	s1 =	sld [smem:$0x3F9B];
	s0 =	simm.s32 @p0 $0x1  }
0x13: {  	[smem:$0x3FB6] =	sst s0;
	s0 =	simm.s32 @!p1 $0x0  }
0x14: {  	s2 =	sld [smem:$0x3F9A];
	s0 =	simm.s32 @p1 $0x1  }
0x15: {  	[smem:$0x3FB7] =	sst s0;
	s0 =	simm.s32 @!p2 $0x0  }
0x16: {  	s3 =	sld [smem:$0x3FDB];
	s0 =	simm.s32 @p2 $0x1  }
0x17: {  	s4 =	simm.s32 $0x1BF5;
	[smem:$0x3FB9] =	sst s0  }
0x18: {  	s0 =	sld [smem:$0x3F9C];
	_ =	swait.ge [sflag:s4], $0x0  }
0x19: {  	s7 =	sld [smem:$0x3F9D]  }
0x1a: {  	s8 =	sadd.s32 $0xFFFFE003, lr  }
0x1b: {  	s9 =	sadd.s32 $0xFFFFFEF7, lr;
	s5 =	simm.s32 $0xFFFFFFFF;
	p2 =	slt.u32 s8, $0xFFFFF086  }
0x1c: {  	p1 =	slt.u32 s9, $0xF7A;
	s5 =	simm.s32 @!p2 $0x0  }
0x1d: {  	s5 =	simm.s32 @p1 $0x1;
	p0 =	seq.s32 s7, s2  }
0x1e: {  	s7 =	smul.u32 @!p0 $0xF7A, s2;
	p2 =	seq.s32 @!p0 s5, $0x0  }
0x1f: {  	s9 =	smul.u32 $0xF7A, s1;
	s8 =	simm.s32 @!p0 $0x1BF5;
	p2 =	por !p2, p0  }
0x20: {  	[sflag:s8] =	ssyncset.s32 @!p0 $0xFFFFF086;
	s6 =	sadd.s32 @!p0 s3, s7;
	s7 =	simm.s32 @!p0 $0x108  }
0x21: {  	s3 =	sadd.s32 s3, s9;
	s6 =	sadd.s32 @!p0 $0x88, s6;
	s7 =	simm.s32 @p2 $0x1082  }
0x22: {  	[simem:s7], [sflag:s8] =	dma.local @!p0 [hbm:s6], $0xF7A  }
0x23: {  	s9 =	sor.u32 $0xD0000000, s2;
	s6 =	simm.s32 $0x108;
	_ =	swait.ge @!p0 [sflag:s8], $0x0  }
0x24: {  	s3 =	sadd.s32 $0x88, s3;
	s6 =	simm.s32 @!p1 $0x1082;
	[sflag:s4] =	ssyncset.s32 $0xFFFFF086  }
0x25: {  	[simem:s6], [sflag:s4] =	dma.local [hbm:s3], $0xF7A  }
0x26: {  	[smem:$0x3F9D] =	sst s1;
	(tag) =	ssettag s2;
	_ =	strace s9  }
0x27: {  	s1 =	sld [smem:$0x3FAD]  }
0x28: {  	s2 =	sld [smem:$0x3FAE]  }
0x29: {  	s4 =	sld [smem:$0x3FB0]  }
0x2a: {  	p0 =	seq.s32 s5, $0x0;
	s5 =	sld [smem:$0x3FB1]  }
0x2b: {  	s6 =	sld [smem:$0x3FB2]  }
0x2c: {  	s7 =	sld [smem:$0x3FB3]  }
0x2d: {  	s3 =	simm.s32 $0x108;
	s8 =	sld [smem:$0x3FB4]  }
0x2e: {  	s3 =	simm.s32 @!p0 $0x1082;
	s9 =	sld [smem:$0x3FB5]  }
0x2f: {  	lr =	sadd.s32 s0, s3;
	s0 =	sld [smem:$0x3FAC]  }
0x30: {  	s3 =	sld [smem:$0x3FAF]  }
0x31: {  	[smem:$0x3FB8] =	sst s10  }
0x32: {  	s10 =	sld [smem:$0x3FB6];
	_ =	sdelay $0x3  }
0x33: {  	p0 =	seq.s32 s10, $0x1;
	s10 =	sld [smem:$0x3FB8];
	_ =	sdelay $0x3  }
0x34: {  	[smem:$0x3FB8] =	sst s10  }
0x35: {  	s10 =	sld [smem:$0x3FB7];
	_ =	sdelay $0x3  }
0x36: {  	p1 =	seq.s32 s10, $0x1;
	s10 =	sld [smem:$0x3FB8];
	_ =	sdelay $0x3  }
0x37: {  	[smem:$0x3FB8] =	sst s10  }
0x38: {  	s10 =	sld [smem:$0x3FB9]  }
0x39: {  	_ = 	snop;
	(pc) =	sbr.ind lr, $3  }
0x3a: {  	_ = 	snop  }
0x3b: {  	_ = 	snop  }
0x3c: {  	p2 =	seq.s32 s10, $0x1;
	s10 =	sld [smem:$0x3FB8]  }
0x3d: {  	_ =	shalt  }
0x3e: {  	_ =	shalt  }
0x3f: {  	_ =	shalt  }
0x40: {  	_ =	shalt  }
0x41: {  	_ =	shalt  }
0x42: {  	_ =	shalt  }
0x43: {  	_ =	shalt  }
0x44: {  	_ =	shalt  }
0x45: {  	_ =	shalt  }
0x46: {  	_ =	shalt  }
0x47: {  	_ =	shalt  }
0x48: {  	_ =	shalt  }
0x49: {  	_ =	shalt  }
0x4a: {  	_ =	shalt  }
0x4b: {  	_ =	shalt  }
0x4c: {  	_ =	shalt  }
0x4d: {  	_ =	shalt  }
0x4e: {  	_ =	shalt  }
0x4f: {  	_ =	shalt  }
0x50: {  	_ =	shalt  }
0x51: {  	_ =	shalt  }
0x52: {  	_ =	shalt  }
0x53: {  	_ =	shalt  }
0x54: {  	_ =	shalt  }
0x55: {  	_ =	shalt  }
0x56: {  	_ =	shalt  }
0x57: {  	_ =	shalt  }
0x58: {  	_ =	shalt  }
0x59: {  	_ =	shalt  }
0x5a: {  	_ =	shalt  }
0x5b: {  	_ =	shalt  }
0x5c: {  	_ =	shalt  }
0x5d: {  	_ =	shalt  }
0x5e: {  	_ =	shalt  }
0x5f: {  	_ =	shalt  }
0x60: {  	_ =	shalt  }
0x61: {  	_ =	shalt  }
0x62: {  	_ =	shalt  }
0x63: {  	_ =	shalt  }
0x64: {  	_ =	shalt  }
0x65: {  	_ =	shalt  }
0x66: {  	_ =	shalt  }
0x67: {  	_ =	shalt  }
0x68: {  	_ =	shalt  }
0x69: {  	_ =	shalt  }
0x6a: {  	_ =	shalt  }
0x6b: {  	_ =	shalt  }
0x6c: {  	_ =	shalt  }
0x6d: {  	_ =	shalt  }
0x6e: {  	_ =	shalt  }
0x6f: {  	_ =	shalt  }
0x70: {  	_ =	shalt  }
0x71: {  	_ =	shalt  }
0x72: {  	_ =	shalt  }
0x73: {  	_ =	shalt  }
0x74: {  	_ =	shalt  }
0x75: {  	_ =	shalt  }
0x76: {  	_ =	shalt  }
0x77: {  	_ =	shalt  }
0x78: {  	_ =	shalt  }
0x79: {  	_ =	shalt  }
0x7a: {  	_ =	shalt  }
0x7b: {  	_ =	shalt  }
0x7c: {  	_ =	shalt  }
0x7d: {  	_ =	shalt  }
0x7e: {  	_ =	shalt  }
0x7f: {  	_ =	shalt  }
0x80: {  	_ =	shalt  }
0x81: {  	_ =	shalt  }
0x82: {  	_ =	shalt  }
0x83: {  	_ =	shalt  }
0x84: {  	_ =	shalt  }
0x85: {  	_ =	shalt  }
0x86: {  	_ =	shalt  }
0x87: {  	_ =	shalt  }
.Lfunc_end0:
.L_simem_size_0:
called_computation_lowered:
.L_overlay_start_0:
0x88: {  	s2 =	sld [smem:$0x3FD9]  }
0x89: {  	s3 =	sld [smem:$0x3FFE];
	_ =	sdelay $0x1  }
0x8a: {  	s1 =	srdreg.scid  }
0x8b: {  	s0 =	sand.u32 $0x1, s1  }
0x8c: {  	s16 =	sshll.u32 s0, $0xA;
	s2 =	sadd.s32 s3, s2  }
0x8d: {  	s2 =	sadd.s32 s2, s16  }
0x8e: {  	[smem:$0x3FC4] =	sst s2  }
0x8f: {  	_ = 	snop  }
0x90: {  	(tm) =	ssettm $0x1  }
0x91: {  	s17 =	sld [smem:$0x3FFB];
	_ =	sdelay $0x3  }
0x92: {  	_ =	strace s17  }
0x93: {  	s2 =	sld [smem:$0x3FFC];
	_ =	sdelay $0x3  }
0x94: {  	_ =	strace s2  }
0x95: {  	s2 =	sld [smem:$0x3FFD];
	_ =	sdelay $0x3  }
0x96: {  	_ =	strace s2  }
0x97: {  	_ =	strace $0x8FFFFFFF  }
0x98: {  	s18 =	sld [smem:$0x3FDB];
	_ =	sdelay $0x1  }
0x99: {  	s19 =	simm.s32 $_scs_section_size  }
0x9a: {  	s4 =	simm.s32 $_size__tile_overlayer_lowered;
	s5 =	simm.s32 $_tile_overlayer_lowered  }
0x9b: {  	s22 =	simm.s32 $0x1BFF;
	s21 =	sshll.u32 s5, $0x1;
	s2 =	sadd.s32 s19, s18  }
0x9c: {  	s6 =	simm.s32 $0x0;
	s20 =	sshll.u32 s4, $0x1;
	s4 =	sadd.s32 s21, s2  }
0x9d: {  	[timem:s6], [sflag:s22] =	dma.local [hbm:s4], s20  }
0x9e: {  	_ =	swait.ge [sflag:s22], s20  }
0x9f: {  	s3 =	ssub.s32 $0x0, s20;
	[sflag:s22] =	ssyncset.done $0x0  }
0xa0: {  	[sflag:s22] =	ssyncadd.s32 s3;
	_ =	sdelay $0x1  }
0xa1: {  	s23 =	simm.s32 $0x1B8B  }
0xa2: {  	_ =	swait.ge [sflag:s23], $0x1  }
0xa3: {  	[sflag:s23] =	ssyncset.done $0x0  }
0xa4: {  	s25 =	simm.s32 $0x1B8E;
	s24 =	sld [smem:$0x3FFE];
	[sflag:s23] =	ssyncadd.s32 $0xFFFFFFFF  }
0xa5: {  	s26 =	simm.s32 $execute0_lowered;
	[smem:$0x3FD2] =	sst s25  }
0xa6: {  	s4 =	sshll.u32 s26, $0x1;
	_ =	strace $0x80000046;
	[dreg:$0x1] =	wrdreg $0xFFFFFFFF  }
0xa7: {  	s28 =	simm.s32 $_size_execute0_lowered;
	s2 =	sadd.s32 s2, s4;
	[dreg:$0x0] =	wrdreg $0x0  }
0xa8: {  	s4 =	sshll.u32 s28, $0x1;
	[dreg:$0x2] =	wrdreg s2  }
0xa9: {  	[dreg:$0x3] =	wrdreg s4  }
0xaa: {  	[dreg:$0x4] =	wrdreg $0xC0  }
0xab: {  	_ =	task [dreg:s6], $0x5FFFF  }
0xac: {  	[dreg:$0x1] =	wrdreg $0xFFFFFFFF  }
0xad: {  	[dreg:$0x0] =	wrdreg $0x60  }
0xae: {  	[dreg:$0x2] =	wrdreg s24  }
0xaf: {  	[dreg:$0x3] =	wrdreg $0x9  }
0xb0: {  	_ =	task.clear_ibuf [dreg:s6], $0x4FFFF;
	_ =	strace $0x90000046  }
0xb1: {  	s29 =	simm.s32 $0x9;
	_ =	strace $0x80000048  }
0xb2: {  	_ =	swait.ge [sflag:s29], $0x1  }
0xb3: {  	[sflag:s29] =	ssyncadd.s32 $0xFFFFFFFF  }
0xb4: {  	_ =	strace $0x90000048  }
0xb5: {  	_ =	sfence  }
0xb6: {  	s30 =	sld [smem:$0x0];
	_ =	sdelay $0x2  }
0xb7: {  	s31 =	sshll.u32 s1, $0xD;
	s1 =	sshrl.u32 s1, $0x2  }
0xb8: {  	s3 =	sand.u32 $0x4000, s31;
	s1 =	sadd.s32 s1, s30  }
0xb9: {  	s0 =	sor.u32 s3, s0;
	s1 =	sshll.u32 s1, $0x11  }
0xba: {  	s0 =	sor.u32 s1, s0  }
0xbb: {  	s0 =	sadd.s32 $0x8F2B, s0  }
0xbc: {  	[sflag:s0] =	ssyncadd.remote.s32 $0x1  }
0xbd: {  	_ =	sfence.sel $0xFFFF  }
0xbe: {  	[dreg:$0x0] =	wrdreg $0xFFFFFFFF;
	(pc) =	sbr.abs _section_cstart, $3  }
0xbf: {  	[dreg:$0x1] =	wrdreg $0xFFFFFFFF  }
0xc0: {  	_ =	task.clear_ibuf [dreg:s6], $0x2FFFF;
	_ =	strace $0x9FFFFFFF  }
0xc1: {  	(tm) =	ssettm $0x7FFFFFFF  }
tec
execute0_lowered:
.L_overlay_start_1:
0x0: {  	(tag) =	ssettag $0x1  }
0x1: {  	s7 =	rddreg [dreg:$0x0];
	s1 =	simm.s32 $0x0  }
0x2: {  	s3 =	srdreg.scid;
	s0 =	stileid.u32;
	s11 =	simm.s32 $0x400  }
0x3: {  	s12 =	simm.s32 $0x2;
	s13 =	simm.s32 $0x1F00;
	s14 =	simm.s32 $0xA  }
0x4: {  	s15 =	simm.s32 $0x1F80;
	s16 =	simm.s32 $0x2000;
	s17 =	simm.s32 $0x1  }
0x5: {  	s18 =	simm.s32 $0x10;
	s19 =	simm.s32 $0x9800;
	s20 =	simm.s32 $0x9880  }
0x6: {  	s21 =	simm.s32 $0xA080;
	[smem:$0x7FF] =	sst s1;
	s8 =	sand.u32 $0x1, s3  }
0x7: {  	s2 =	sadd.s32 $0x3E5200, s7;
	s4 =	sadd.s32 $0xFD200, s7;
	s9 =	ssub.s32 $0x2, s8  }
0x8: {  	s5 =	sadd.s32 $0x5200, s7;
	s6 =	sadd.s32 $0x141F600, s7;
	s10 =	sshrl.u32 s9, $0x1  }
0x9: {  	s30 =	sshll.u32 s0, $0x6;
	s7 =	sadd.s32 $0x9200, s7;
	s9 =	ssub.s32 s9, s10  }
0xa: {  	_ =	strace $0x80000047;
	s8 =	sshll.u32 s8, $0x5;
	s31 =	smax.u32 s9, $0x1  }
0xb: {  	vm0 =	vcmask $0x2328;
	vm1 =	vmmov $0x3ff;
	v0 =	vimm.s32 $0x0;
	s8 =	sor.u32 s8, s30;
	s10 =	simm.s32 $0x80;
	[dreg:$0x2] =	wrdreg s31  }
.LBB2_1:
0xc: {  	s22 =	simm.s32 $0x0  }
.LBB2_2:
0xd: {  	s23 =	sadd.s32 s8, s22  }
0xe: {  	s23 =	sshrl.u32 s23, $0x3  }
0xf: {  	s24 =	sshll.u32 s22, $0x7;
	s25 =	smul.u32 $0xF800, s23  }
0x10: {  	s24 =	sand.u32 $0x380, s24  }
0x11: {  	s25 =	sor.u32 s24, s25  }
0x12: {  	s25 =	sshrl.u32 s25, $0x3  }
0x13: {  	s26 =	simm.s32 $0x0;
	s31 =	sshll.u32 s23, $0xA;
	s25 =	sadd.s32 s2, s25  }
0x14: {  	[tilespmem:s26], [sflag:$0x2] =	stream.strided.gather [hbm4b:s25+s10], $0x1F00, s11, s10, $0x38;
	[tilespmem:$0xA180] =	vst v63  }
0x15: {  	s25 =	sor.u32 s24, s31;
	_ =	swait.ge [sflag:s12], $0x1F00  }
0x16: {  	s25 =	sshrl.u32 s25, $0x3;
	[sflag:s12] =	ssyncset.done $0x0  }
0x17: {  	s25 =	sadd.s32 s5, s25;
	[sflag:s12] =	ssyncadd.s32 $0xFFFFE100  }
0x18: {  	[tilespmem:s13], [sflag:$0x2] =	stream.linear.gather [hbm4b:s25+s26], $0x80, $0x38;
	[tilespmem:$0xA180] =	vst v63  }
0x19: {  	_ =	swait.ge [sflag:s12], $0x80  }
0x1a: {  	[sflag:s12] =	ssyncset.done $0x0  }
0x1b: {  	[sflag:s12] =	ssyncadd.s32 $0xFFFFFF80  }
0x1c: {  	v1 =	vld [tilespmem:s26+$0x0];
	_ =	sdelay $0x4  }
0x1d: {  	(xrf0) =	vmax.scan.msk.f32 $0xffff, v1;
	_ =	sdelay $0x5  }
0x1e: {  	v2, _, _ =	vpop (xrf0)  }
0x1f: {  	(v2sf) =	vpush v2, $0xF;
	_ =	sdelay $0xe  }
0x20: {  	s25 =	simm.f32 $-3.000000010e+38;
	s28 =	spop (v2sf)  }
0x21: {  	p0 =	sgt.f32 s28, s25;
	_ =	sdelay $0x1  }
0x22: {  	v2 =	vlaneseq.u32 @p0  }
0x23: {  	v3 =	vor.u32 @p0 s26, v2  }
0x24: {  	(xrf1) =	vsort.dscd.msk.f32 @p0 $0xffff, v1, v3;
	_ =	sdelay $0xb  }
0x25: {  	v1 =	vmul.u32 @p0 $0xFFFFFFFF, v2;
	_ =	sdelay $0x1  }
0x26: {  	v1 =	vadd.s32 @p0 $0xF, v1;
	v2, v3, _ =	vpop @p0 (xrf1)  }
0x27: {  	v4 =	vperm.xlane @p0 v2, v1  }
0x28: {  	v2 =	vimm.f32 $-3.000000010e+38;
	v3 =	vperm.xlane @p0 v3, v1  }
0x29: {  	v1 =	vimm.s32 $0x0;
	vm2 =	vge.f32 @p0 v2, v4  }
0x2a: {  	v4 =	vsel @p0 vm2, v2, v4;
	v3 =	vsel @p0 vm2, v1, v3  }
0x2b: {  	(xrf1) =	vsort.dscd.msk.f32 @p0 $0xffff, v4, v3;
	_ =	sdelay $0x9  }
0x2c: {  	s28 =	simm.s32 $0x10;
	s26 =	simm.s32 $0x10  }
.LBB2_3:
0x2d: {  	v3 =	vld [tilespmem:s26+$0x0];
	s29 =	smov.u32 s28;
	s28 =	sadd.s32 $0x10, s28  }
0x2e: {  	p1 =	sne.s32 s28, $0x1F00;
	_ =	sdelay $0x1  }
0x2f: {  	v4, v5, _ =	vpop @p0 (xrf1)  }
0x30: {  	v2 =	vpsel p0, v4, v2;
	v1 =	vpsel p0, v5, v1;
	(xrf0) =	vmin.scan.msk.f32 @p0 $0xffff, v4  }
0x31: {  	(xrf0) =	vmax.scan.msk.f32 $0xffff, v3;
	_ =	sdelay $0x4  }
0x32: {  	v4, _, _ =	vpop @p0 (xrf0)  }
0x33: {  	v5, _, _ =	vpop (xrf0);
	(v2sf) =	vpush @p0 v4, $0xF  }
0x34: {  	(v2sf) =	vpush v5, $0xF;
	_ =	sdelay $0xd  }
0x35: {  	s30 =	spop @p0 (v2sf)  }
0x36: {  	s31 =	spop (v2sf);
	s25 =	smov.u32 @p0 s30  }
0x37: {  	p0 =	sgt.f32 s31, s25;
	_ =	sdelay $0x1  }
0x38: {  	v4 =	vlaneseq.u32 @p0  }
0x39: {  	v5 =	vor.u32 @p0 s29, v4  }
0x3a: {  	(xrf1) =	vsort.dscd.msk.f32 @p0 $0xffff, v3, v5;
	_ =	sdelay $0xb  }
0x3b: {  	v3 =	vmul.u32 @p0 $0xFFFFFFFF, v4;
	_ =	sdelay $0x1  }
0x3c: {  	v3 =	vadd.s32 @p0 $0xF, v3;
	v4, v5, _ =	vpop @p0 (xrf1)  }
0x3d: {  	v4 =	vperm.xlane @p0 v4, v3  }
0x3e: {  	v3 =	vperm.xlane @p0 v5, v3  }
0x3f: {  	vm2 =	vge.f32 @p0 v2, v4  }
0x40: {  	v4 =	vsel @p0 vm2, v2, v4;
	v3 =	vsel @p0 vm2, v1, v3  }
0x41: {  	(xrf1) =	vsort.dscd.msk.f32 @p0 $0xffff, v4, v3;
	_ =	sdelay $0x5  }
.Ltmp0:
0x42: {  	(pc) =	sbr.rel @p1 .LBB2_3-.Ltmp0, $2  }
0x43: {  	_ =	sdelay $0x2  }
0x44: {  	s26 =	sadd.s32 $0x10, s26  }
0x45: {  	_ =	sdelay $0x2  }
0x46: {  	v3, v4, _ =	vpop @p0 (xrf1)  }
0x47: {  	v2 =	vpsel p0, v3, v2  }
0x48: {  	(xrf0) =	vmin.scan.msk.f32 @p0 $0xffff, v3;
	v2 =	vsel vm0, $0xFF61B1E6, v2  }
0x49: {  	(xrf0) =	vmax.scan.msk.f32 $0xffff, v2;
	_ =	sdelay $0x4  }
0x4a: {  	v2, _, _ =	vpop @p0 (xrf0)  }
0x4b: {  	(v2sf) =	vpush @p0 v2, $0xF;
	v2, _, _ =	vpop (xrf0)  }
0x4c: {  	(v2sf) =	vpush v2, $0xF;
	_ =	sdelay $0xa  }
0x4d: {  	v1 =	vpsel p0, v4, v1  }
0x4e: {  	[tilespmem:$0x1F80] =	vst v1  }
0x4f: {  	[tilespmem:s16], [sflag:$0x1] =	stream.indirect.gather [hbm4b:s4+s14], $0xC00, s15, s14, $0xb8;
	[tilespmem:$0xA180] =	vst v63  }
0x50: {  	s25 =	spop @p0 (v2sf)  }
0x51: {  	s25 =	spop (v2sf)  }
0x52: {  	s26 =	simm.s32 $0x0;
	_ =	swait.ge [sflag:s17], $0x7800  }
0x53: {  	s28 =	smul.u32 $0x3000, s26;
	[sflag:s17] =	ssyncset.done $0x0  }
0x54: {  	s29 =	simm.s32 $0x0;
	[sflag:s17] =	ssyncadd.s32 $0xFFFF8800  }
0x55: {  	s29 =	sand.u32 $0x70, s29;
	s28 =	sshra.s32 s28, $0x2;
	v16 =	vld [tilespmem:$0x1F00]  }
0x56: {  	s28 =	sor.u32 s29, s28  }
0x57: {  	v3 =	vld [tilespmem:s28+$0x2000]  }
0x58: {  	v4 =	vld [tilespmem:s28+$0x2800]  }
0x59: {  	v5 =	vld [tilespmem:s28+$0x2080]  }
0x5a: {  	v1 =	vbroadcast v16, $0x0  }
0x5b: {  	v6 =	vld [tilespmem:s28+$0x2100]  }
0x5c: {  	v2 =	vbroadcast v16, $0x1;
	v7 =	vmul.f32 v3, v1  }
0x5d: {  	v8 =	vld [tilespmem:s28+$0x2180]  }
0x5e: {  	v3 =	vbroadcast v16, $0x2;
	v5 =	vmul.f32 v5, v2;
	v7 =	vadd.f32 v7, v4  }
0x5f: {  	v9 =	vld [tilespmem:s28+$0x2200]  }
0x60: {  	v4 =	vbroadcast v16, $0x3;
	v6 =	vmul.f32 v6, v3;
	v7 =	vadd.f32 v5, v7  }
0x61: {  	v10 =	vld [tilespmem:s28+$0x2280]  }
0x62: {  	v5 =	vbroadcast v16, $0x4;
	v8 =	vmul.f32 v8, v4;
	v7 =	vadd.f32 v6, v7  }
0x63: {  	v11 =	vld [tilespmem:s28+$0x2300]  }
0x64: {  	v6 =	vbroadcast v16, $0x5;
	v9 =	vmul.f32 v9, v5;
	v8 =	vadd.f32 v8, v7  }
0x65: {  	v12 =	vld [tilespmem:s28+$0x2380]  }
0x66: {  	v7 =	vbroadcast v16, $0x6;
	v10 =	vmul.f32 v10, v6;
	v9 =	vadd.f32 v9, v8  }
0x67: {  	v13 =	vld [tilespmem:s28+$0x2400]  }
0x68: {  	v8 =	vbroadcast v16, $0x7;
	v11 =	vmul.f32 v11, v7;
	v10 =	vadd.f32 v10, v9  }
0x69: {  	v14 =	vld [tilespmem:s28+$0x2480]  }
0x6a: {  	v9 =	vbroadcast v16, $0x8;
	v12 =	vmul.f32 v12, v8;
	v11 =	vadd.f32 v11, v10  }
0x6b: {  	v15 =	vld [tilespmem:s28+$0x2500]  }
0x6c: {  	v10 =	vbroadcast v16, $0x9;
	v13 =	vmul.f32 v13, v9;
	v12 =	vadd.f32 v12, v11  }
0x6d: {  	v17 =	vld [tilespmem:s28+$0x2580]  }
0x6e: {  	v11 =	vbroadcast v16, $0xA;
	v14 =	vmul.f32 v14, v10;
	v13 =	vadd.f32 v13, v12  }
0x6f: {  	v18 =	vld [tilespmem:s28+$0x2600]  }
0x70: {  	v12 =	vbroadcast v16, $0xB;
	v15 =	vmul.f32 v15, v11;
	v14 =	vadd.f32 v14, v13  }
0x71: {  	v19 =	vld [tilespmem:s28+$0x2680]  }
0x72: {  	v13 =	vbroadcast v16, $0xC;
	v17 =	vmul.f32 v17, v12;
	v15 =	vadd.f32 v15, v14  }
0x73: {  	v20 =	vld [tilespmem:s28+$0x2700]  }
0x74: {  	v14 =	vbroadcast v16, $0xD;
	v18 =	vmul.f32 v18, v13;
	v17 =	vadd.f32 v17, v15  }
0x75: {  	v21 =	vld [tilespmem:s28+$0x2780]  }
0x76: {  	v15 =	vbroadcast v16, $0xE;
	v17 =	vadd.f32 v18, v17;
	v18 =	vmul.f32 v19, v14;
	_ =	sdelay $0x1  }
0x77: {  	v16 =	vbroadcast v16, $0xF;
	v17 =	vadd.f32 v18, v17;
	v18 =	vmul.f32 v20, v15;
	_ =	sdelay $0x1  }
0x78: {  	v17 =	vadd.f32 v18, v17;
	v18 =	vmul.f32 v21, v16;
	_ =	sdelay $0x1  }
0x79: {  	v17 =	vadd.f32 v18, v17;
	_ =	sdelay $0x1  }
0x7a: {  	(xrf0) =	vmax.scan.msk.f32 $0xffff, v17;
	_ =	sdelay $0x5  }
0x7b: {  	v18, _, _ =	vpop (xrf0)  }
0x7c: {  	(v2sf) =	vpush v18, $0xF;
	_ =	sdelay $0x7  }
0x7d: {  	v18 =	vmov s26;
	_ =	sdelay $0x2  }
0x7e: {  	s30 =	simm.s32 $0x0  }
0x7f: {  	s31 =	smul.u32 $0x3000, s30  }
0x80: {  	s28 =	simm.s32 $0x10;
	v18 =	vld.idx.msk [tilespmem:v18+s15+$0x0], $0xffff  }
0x81: {  	s31 =	sshra.s32 s31, $0x2;
	s25 =	sadd.f32 $-5.000000070e-02, s25;
	s26 =	sand.u32 $0x70, s28  }
0x82: {  	s31 =	sor.u32 s26, s31;
	s0 =	spop (v2sf)  }
0x83: {  	v19 =	vld [tilespmem:s31+$0x2000];
	p0 =	sgt.f32 s0, s25  }
0x84: {  	v20 =	vld [tilespmem:s31+$0x2800]  }
0x85: {  	v21 =	vld [tilespmem:s31+$0x2080];
	v18 =	vshll.u32 @p0 v18, $0x7  }
0x86: {  	v22 =	vlaneseq.u32 @p0;
	v18 =	vor.u32 @p0 s29, v18  }
0x87: {  	v23 =	vld [tilespmem:s31+$0x2100];
	v18 =	vor.u32 @p0 v22, v18  }
0x88: {  	(xrf1) =	vsort.dscd.msk.f32 @p0 $0xffff, v17, v18;
	v17 =	vmul.f32 v19, v1  }
0x89: {  	v18 =	vld [tilespmem:s31+$0x2180]  }
0x8a: {  	v19 =	vmul.f32 v21, v2;
	v17 =	vadd.f32 v17, v20  }
0x8b: {  	v20 =	vld [tilespmem:s31+$0x2200]  }
0x8c: {  	v17 =	vadd.f32 v19, v17;
	v19 =	vmul.f32 v23, v3  }
0x8d: {  	v21 =	vld [tilespmem:s31+$0x2280]  }
0x8e: {  	v18 =	vmul.f32 v18, v4;
	v17 =	vadd.f32 v19, v17;
	_ =	sdelay $0x1  }
0x8f: {  	v19 =	vld [tilespmem:s31+$0x2300];
	v17 =	vadd.f32 v18, v17;
	v18 =	vmul.f32 v20, v5;
	_ =	sdelay $0x1  }
0x90: {  	v20 =	vld [tilespmem:s31+$0x2380];
	v17 =	vadd.f32 v18, v17;
	v18 =	vmul.f32 v21, v6;
	v21 =	vmul.u32 @p0 $0xFFFFFFFF, v22;
	_ =	sdelay $0x2  }
0x91: {  	v22 =	vld [tilespmem:s31+$0x2400];
	v17 =	vadd.f32 v18, v17;
	v18 =	vmul.f32 v19, v7  }
0x92: {  	v19 =	vadd.s32 @p0 $0xF, v21;
	v21, v23, _ =	vpop @p0 (xrf1)  }
0x93: {  	v24 =	vld [tilespmem:s31+$0x2480];
	v17 =	vadd.f32 v18, v17;
	v18 =	vmul.f32 v20, v8;
	v20 =	vperm.xlane @p0 v21, v19  }
0x94: {  	v21 =	vimm.f32 $-3.000000010e+38;
	v19 =	vperm.xlane @p0 v23, v19  }
0x95: {  	v25 =	vld [tilespmem:s31+$0x2500];
	v23 =	vimm.s32 $0x0;
	v17 =	vadd.f32 v18, v17;
	vm2 =	vge.f32 @p0 v21, v20  }
0x96: {  	v18 =	vmul.f32 v22, v9;
	v20 =	vsel @p0 vm2, v21, v20;
	v19 =	vsel @p0 vm2, v23, v19  }
0x97: {  	v22 =	vld [tilespmem:s31+$0x2580];
	(xrf1) =	vsort.dscd.msk.f32 @p0 $0xffff, v20, v19  }
0x98: {  	v17 =	vadd.f32 v18, v17;
	v18 =	vmul.f32 v24, v10  }
0x99: {  	v19 =	vld [tilespmem:s31+$0x2600]  }
0x9a: {  	v17 =	vadd.f32 v18, v17;
	v18 =	vmul.f32 v25, v11  }
0x9b: {  	v20 =	vld [tilespmem:s31+$0x2680]  }
0x9c: {  	v17 =	vadd.f32 v18, v17;
	v18 =	vmul.f32 v22, v12  }
0x9d: {  	v22 =	vld [tilespmem:s31+$0x2700]  }
0x9e: {  	v17 =	vadd.f32 v18, v17;
	v18 =	vmul.f32 v19, v13  }
0x9f: {  	v19 =	vld [tilespmem:s31+$0x2780]  }
0xa0: {  	v17 =	vadd.f32 v18, v17;
	v18 =	vmul.f32 v20, v14;
	_ =	sdelay $0x1  }
0xa1: {  	v17 =	vadd.f32 v18, v17;
	v18 =	vmul.f32 v22, v15;
	_ =	sdelay $0x1  }
0xa2: {  	v17 =	vadd.f32 v18, v17;
	v18 =	vmul.f32 v19, v16  }
0xa3: {  	vm2 =	vcmask @p0 $0x2328;
	v20, v22, _ =	vpop @p0 (xrf1)  }
0xa4: {  	v19 =	vadd.f32 v18, v17;
	v17 =	vsel @p0 vm2, $0xFF61B1E6, v20  }
0xa5: {  	(xrf0) =	vmax.scan.msk.f32 @p0 $0xffff, v17  }
0xa6: {  	(xrf0) =	vmax.scan.msk.f32 $0xffff, v19;
	_ =	sdelay $0x4  }
0xa7: {  	v17, _, _ =	vpop @p0 (xrf0)  }
0xa8: {  	v18 =	vpsel p0, v20, v21;
	v20, _, _ =	vpop (xrf0);
	(v2sf) =	vpush @p0 v17, $0xF  }
0xa9: {  	(v2sf) =	vpush v20, $0xF;
	_ =	sdelay $0x6  }
0xaa: {  	s29 =	simm.s32 $0x2;
	v17 =	vpsel p0, v22, v23;
	v20 =	vmov s30  }
.LBB2_5:
0xab: {  	_ =	sdelay $0x3  }
0xac: {  	s30 =	sshrl.u32 s29, $0x3;
	v20 =	vld.idx.msk [tilespmem:v20+s15+$0x0], $0xffff  }
0xad: {  	s29 =	sadd.s32 $0x1, s29;
	s28 =	sadd.s32 $0x10, s28;
	s0 =	smul.u32 $0x3000, s30  }
0xae: {  	s3 =	sand.u32 $0x70, s28;
	p1 =	sne.s32 s29, $0x50;
	s31 =	spop @p0 (v2sf)  }
0xaf: {  	s0 =	sshra.s32 s0, $0x2;
	s9 =	spop (v2sf);
	s25 =	smov.u32 @p0 s31  }
0xb0: {  	s31 =	sor.u32 s3, s0;
	p0 =	sgt.f32 s9, s25  }
0xb1: {  	v21 =	vld [tilespmem:s31+$0x2000]  }
0xb2: {  	v22 =	vld [tilespmem:s31+$0x2800];
	v20 =	vshll.u32 @p0 v20, $0x7  }
0xb3: {  	v24 =	vlaneseq.u32 @p0;
	v23 =	vld [tilespmem:s31+$0x2080];
	v20 =	vor.u32 @p0 s26, v20;
	s26 =	smov.u32 s3  }
0xb4: {  	v20 =	vor.u32 @p0 v24, v20  }
0xb5: {  	v25 =	vld [tilespmem:s31+$0x2100];
	(xrf1) =	vsort.dscd.msk.f32 @p0 $0xffff, v19, v20  }
0xb6: {  	v19 =	vmul.f32 v21, v1  }
0xb7: {  	v20 =	vld [tilespmem:s31+$0x2180]  }
0xb8: {  	v19 =	vadd.f32 v19, v22;
	v21 =	vmul.f32 v23, v2  }
0xb9: {  	v22 =	vld [tilespmem:s31+$0x2200]  }
0xba: {  	v19 =	vadd.f32 v21, v19;
	v21 =	vmul.f32 v25, v3  }
0xbb: {  	v23 =	vld [tilespmem:s31+$0x2280]  }
0xbc: {  	v19 =	vadd.f32 v21, v19;
	v20 =	vmul.f32 v20, v4  }
0xbd: {  	v21 =	vld [tilespmem:s31+$0x2300]  }
0xbe: {  	v19 =	vadd.f32 v20, v19;
	v20 =	vmul.f32 v22, v5  }
0xbf: {  	v22 =	vld [tilespmem:s31+$0x2380]  }
0xc0: {  	v19 =	vadd.f32 v20, v19;
	v20 =	vmul.f32 v23, v6  }
0xc1: {  	v24 =	vmul.u32 @p0 $0xFFFFFFFF, v24;
	v23 =	vld [tilespmem:s31+$0x2400]  }
0xc2: {  	v19 =	vadd.f32 v20, v19;
	v20 =	vmul.f32 v21, v7  }
0xc3: {  	v24 =	vadd.s32 @p0 $0xF, v24;
	v21 =	vld [tilespmem:s31+$0x2480];
	v25, v26, _ =	vpop @p0 (xrf1)  }
0xc4: {  	v19 =	vadd.f32 v20, v19;
	v20 =	vmul.f32 v22, v8;
	v22 =	vperm.xlane @p0 v25, v24  }
0xc5: {  	v24 =	vperm.xlane @p0 v26, v24;
	v25 =	vld [tilespmem:s31+$0x2500]  }
0xc6: {  	v19 =	vadd.f32 v20, v19;
	v20 =	vmul.f32 v23, v9;
	vm2 =	vge.f32 @p0 v18, v22  }
0xc7: {  	v23 =	vld [tilespmem:s31+$0x2580];
	v22 =	vsel @p0 vm2, v18, v22;
	v24 =	vsel @p0 vm2, v17, v24  }
0xc8: {  	v19 =	vadd.f32 v20, v19;
	v20 =	vmul.f32 v21, v10;
	(xrf1) =	vsort.dscd.msk.f32 @p0 $0xffff, v22, v24  }
0xc9: {  	v21 =	vld [tilespmem:s31+$0x2600]  }
0xca: {  	v19 =	vadd.f32 v20, v19;
	v20 =	vmul.f32 v25, v11  }
0xcb: {  	v22 =	vld [tilespmem:s31+$0x2680]  }
0xcc: {  	v19 =	vadd.f32 v20, v19;
	v20 =	vmul.f32 v23, v12  }
0xcd: {  	v23 =	vld [tilespmem:s31+$0x2700]  }
0xce: {  	v19 =	vadd.f32 v20, v19;
	v20 =	vmul.f32 v21, v13  }
0xcf: {  	v21 =	vld [tilespmem:s31+$0x2780]  }
0xd0: {  	v19 =	vadd.f32 v20, v19;
	v20 =	vmul.f32 v22, v14;
	_ =	sdelay $0x1  }
0xd1: {  	v19 =	vadd.f32 v20, v19;
	v20 =	vmul.f32 v23, v15;
	_ =	sdelay $0x1  }
0xd2: {  	v19 =	vadd.f32 v20, v19;
	v22 =	vmul.f32 v21, v16;
	_ =	sdelay $0x1  }
0xd3: {  	vm2 =	vcmask @p0 $0x2328;
	v19 =	vadd.f32 v22, v19;
	v20, v21, _ =	vpop @p0 (xrf1)  }
0xd4: {  	v22 =	vsel @p0 vm2, $0xFF61B1E6, v20;
	v18 =	vpsel p0, v20, v18;
	v17 =	vpsel p0, v21, v17  }
0xd5: {  	(xrf0) =	vmax.scan.msk.f32 @p0 $0xffff, v22  }
0xd6: {  	(xrf0) =	vmax.scan.msk.f32 $0xffff, v19;
	_ =	sdelay $0x4  }
0xd7: {  	v20, _, _ =	vpop @p0 (xrf0)  }
0xd8: {  	v21, _, _ =	vpop (xrf0);
	(v2sf) =	vpush @p0 v20, $0xF  }
0xd9: {  	(v2sf) =	vpush v21, $0xF;
	_ =	sdelay $0x2  }
.Ltmp1:
0xda: {  	(pc) =	sbr.rel @p1 .LBB2_5-.Ltmp1, $2  }
0xdb: {  	_ =	sdelay $0x2  }
0xdc: {  	v20 =	vmov s30  }
0xdd: {  	_ =	sdelay $0x4  }
0xde: {  	v1 =	vld.idx.msk [tilespmem:v20+s15+$0x0], $0xffff  }
0xdf: {  	s0 =	spop @p0 (v2sf)  }
0xe0: {  	s3 =	spop (v2sf);
	s25 =	smov.u32 @p0 s0  }
0xe1: {  	p0 =	sgt.f32 s3, s25;
	_ =	sdelay $0x1  }
0xe2: {  	v1 =	vshll.u32 @p0 v1, $0x7  }
0xe3: {  	v2 =	vlaneseq.u32 @p0;
	v1 =	vor.u32 @p0 s26, v1  }
0xe4: {  	v1 =	vor.u32 @p0 v2, v1  }
0xe5: {  	(xrf1) =	vsort.dscd.msk.f32 @p0 $0xffff, v19, v1;
	_ =	sdelay $0xb  }
0xe6: {  	v1 =	vmul.u32 @p0 $0xFFFFFFFF, v2;
	_ =	sdelay $0x1  }
0xe7: {  	v1 =	vadd.s32 @p0 $0xF, v1;
	v2, v3, _ =	vpop @p0 (xrf1)  }
0xe8: {  	v2 =	vperm.xlane @p0 v2, v1  }
0xe9: {  	v1 =	vperm.xlane @p0 v3, v1  }
0xea: {  	vm2 =	vge.f32 @p0 v18, v2  }
0xeb: {  	v2 =	vsel @p0 vm2, v18, v2;
	v1 =	vsel @p0 vm2, v17, v1  }
0xec: {  	(xrf1) =	vsort.dscd.msk.f32 @p0 $0xffff, v2, v1;
	_ =	sdelay $0xd  }
0xed: {  	vm2 =	vcmask @p0 $0x2328;
	v1, v2, _ =	vpop @p0 (xrf1)  }
0xee: {  	v3 =	vsel @p0 vm2, $0xFF61B1E6, v1  }
0xef: {  	v1 =	vpsel p0, v1, v18;
	(xrf0) =	vmax.scan.msk.f32 @p0 $0xffff, v3  }
0xf0: {  	(xrf0) =	vmax.scan.msk.f32 $0xffff, v1;
	_ =	sdelay $0x4  }
0xf1: {  	v3, _, _ =	vpop @p0 (xrf0)  }
0xf2: {  	v4, _, _ =	vpop (xrf0)  }
0xf3: {  	v4 =	vbroadcast v4, $0xF;
	_ =	sdelay $0x1  }
0xf4: {  	v1 =	vsub.f32 v1, v4;
	_ =	sdelay $0x1  }
0xf5: {  	v1 =	vmul.f32 $1.442695020e+00, v1;
	_ =	sdelay $0x1  }
0xf6: {  	(erf) = vpow2.f32 v1;
	_ =	sdelay $0x8  }
0xf7: {  	v1 =	vpop (erf)  }
0xf8: {  	v1 =	vnsel vm1, $0x0, v1  }
0xf9: {  	(xrf2) =	vadd.scan.msk.f32 $0xffff, v1;
	_ =	sdelay $0x5  }
0xfa: {  	(v2sf) =	vpush @p0 v3, $0xF;
	_ =	sdelay $0x3  }
0xfb: {  	v3, _, _ =	vpop (xrf2)  }
0xfc: {  	v3 =	vbroadcast v3, $0xF;
	_ =	sdelay $0x1  }
0xfd: {  	(erf) = vrcp.f32 v3  }
0xfe: {  	v2 =	vpsel p0, v2, v17  }
0xff: {  	v55 =	vand.u32 $0x7, v2;
	v3 =	vshra.s32 v2, $0x1F  }
0x100: {  	vm2 =	vlt.s32 v2, $0x1;
	vm3 =	vne.s32 v55, $0x0;
	v3 =	vshrl.u32 v3, $0x1D  }
0x101: {  	vm2 =	vmand vm2, vm3;
	v3 =	vadd.s32 v3, v2  }
0x102: {  	v56 =	vsel vm2, $0xFFFFFFFF, v0;
	v3 =	vshra.s32 v3, $0x3  }
0x103: {  	v3 =	vadd.s32 v56, v3;
	_ =	sdelay $0x1  }
0x104: {  	s0 =	spop @p0 (v2sf);
	[tilespmem:$0x9800] =	vst v3  }
0x105: {  	[tilespmem:s20], [sflag:$0x1] =	stream.indirect.gather [hbm4b:s6+s18], $0x80, s19, s18, $0xb8;
	v3 =	vpop (erf);
	[tilespmem:$0xA180] =	vst v63  }
0x106: {  	v2 =	vshll.u32 v2, $0x4;
	_ =	swait.ge [sflag:s17], $0x800  }
0x107: {  	(v2sf) =	vpush v2, $0x0;
	_ =	sdelay $0x7  }
0x108: {  	(v2sf) =	vpush v2, $0x1;
	_ =	sdelay $0x6  }
0x109: {  	[sflag:s17] =	ssyncset.done $0x0;
	s0 =	spop (v2sf)  }
0x10a: {  	[sflag:s17] =	ssyncadd.s32 $0xFFFFF800;
	(v2sf) =	vpush v2, $0x2;
	s0 =	sand.u32 $0x70, s0  }
0x10b: {  	v57 =	vld [tilespmem:s0+$0x9880]  }
0x10c: {  	v1 =	vmul.f32 v3, v1;
	_ =	sdelay $0x1  }
0x10d: {  	v3 =	vbroadcast v1, $0x0;
	_ =	sdelay $0x1  }
0x10e: {  	v3 =	vmul.f32 v57, v3  }
0x10f: {  	s30 =	spop (v2sf)  }
0x110: {  	(v2sf) =	vpush v2, $0x3;
	s0 =	sand.u32 $0x70, s30;
	[tilespmem:$0xA080] =	vst v3  }
0x111: {  	v3 =	vld [tilespmem:s0+$0x9900];
	_ =	sdelay $0x2  }
0x112: {  	v58 =	vbroadcast v1, $0x1;
	_ =	sdelay $0x1  }
0x113: {  	v3 =	vmul.f32 v3, v58  }
0x114: {  	s31 =	spop (v2sf)  }
0x115: {  	(v2sf) =	vpush v2, $0x4;
	s0 =	sand.u32 $0x70, s31;
	[tilespmem:$0xA090] =	vst v3  }
0x116: {  	v3 =	vld [tilespmem:s0+$0x9980];
	_ =	sdelay $0x2  }
0x117: {  	v59 =	vbroadcast v1, $0x2;
	_ =	sdelay $0x1  }
0x118: {  	v3 =	vmul.f32 v3, v59  }
0x119: {  	s3 =	spop (v2sf)  }
0x11a: {  	(v2sf) =	vpush v2, $0x5;
	s0 =	sand.u32 $0x70, s3;
	[tilespmem:$0xA0A0] =	vst v3  }
0x11b: {  	v3 =	vld [tilespmem:s0+$0x9A00];
	_ =	sdelay $0x2  }
0x11c: {  	v60 =	vbroadcast v1, $0x3;
	_ =	sdelay $0x1  }
0x11d: {  	v3 =	vmul.f32 v3, v60  }
0x11e: {  	s9 =	spop (v2sf)  }
0x11f: {  	(v2sf) =	vpush v2, $0x6;
	s0 =	sand.u32 $0x70, s9;
	[tilespmem:$0xA0B0] =	vst v3  }
0x120: {  	v3 =	vld [tilespmem:s0+$0x9A80];
	_ =	sdelay $0x2  }
0x121: {  	v61 =	vbroadcast v1, $0x4;
	_ =	sdelay $0x1  }
0x122: {  	v3 =	vmul.f32 v3, v61  }
0x123: {  	s25 =	spop (v2sf)  }
0x124: {  	(v2sf) =	vpush v2, $0x7;
	s0 =	sand.u32 $0x70, s25;
	[tilespmem:$0xA0C0] =	vst v3  }
0x125: {  	v3 =	vld [tilespmem:s0+$0x9B00];
	_ =	sdelay $0x2  }
0x126: {  	v62 =	vbroadcast v1, $0x5;
	_ =	sdelay $0x1  }
0x127: {  	v3 =	vmul.f32 v3, v62  }
0x128: {  	s26 =	spop (v2sf)  }
0x129: {  	(v2sf) =	vpush v2, $0x8;
	s0 =	sand.u32 $0x70, s26;
	[tilespmem:$0xA0D0] =	vst v3  }
0x12a: {  	v3 =	vld [tilespmem:s0+$0x9B80];
	_ =	sdelay $0x2  }
0x12b: {  	v63 =	vbroadcast v1, $0x6;
	_ =	sdelay $0x1  }
0x12c: {  	v3 =	vmul.f32 v3, v63  }
0x12d: {  	s28 =	spop (v2sf)  }
0x12e: {  	(v2sf) =	vpush v2, $0x9;
	s0 =	sand.u32 $0x70, s28;
	[tilespmem:$0xA0E0] =	vst v3  }
0x12f: {  	v2 =	vld [tilespmem:s0+$0x9C00];
	_ =	sdelay $0x2  }
0x130: {  	v3 =	vbroadcast v1, $0x7;
	_ =	sdelay $0x1  }
0x131: {  	v2 =	vmul.f32 v2, v3  }
0x132: {  	s29 =	spop (v2sf)  }
0x133: {  	s0 =	sand.u32 $0x70, s29;
	[tilespmem:$0xA0F0] =	vst v2  }
0x134: {  	v2 =	vld [tilespmem:s0+$0x9C80];
	_ =	sdelay $0x2  }
0x135: {  	v3 =	vbroadcast v1, $0x8;
	_ =	sdelay $0x1  }
0x136: {  	v2 =	vmul.f32 v2, v3  }
0x137: {  	s30 =	spop (v2sf)  }
0x138: {  	s0 =	sand.u32 $0x70, s30;
	[tilespmem:$0xA100] =	vst v2  }
0x139: {  	v2 =	vld [tilespmem:s0+$0x9D00];
	_ =	sdelay $0x2  }
0x13a: {  	v1 =	vbroadcast v1, $0x9  }
0x13b: {  	s31 =	sshll.u32 s23, $0xB  }
0x13c: {  	s22 =	sadd.s32 $0x1, s22;
	s0 =	sor.u32 s24, s31;
	v1 =	vmul.f32 v2, v1  }
0x13d: {  	p0 =	sne.s32 s22, $0x20;
	s0 =	sshrl.u32 s0, $0x3  }
.Ltmp2:
0x13e: {  	s0 =	sadd.s32 s7, s0;
	[tilespmem:$0xA110] =	vst v1;
	(pc) =	sbr.rel @p0 .LBB2_2-.Ltmp2, $4  }
0x13f: {  	[hbm4b:s0+s10] =	stream.strided.scatter [tilespmem:s21], [sflag:$0x2], $0x100, s11, s10, $0x38;
	[tilespmem:$0xA180] =	vst v63  }
0x140: {  	_ =	swait.ge [sflag:s12], $0x100  }
0x141: {  	[sflag:s12] =	ssyncset.done $0x0  }
0x142: {  	[sflag:s12] =	ssyncadd.s32 $0xFFFFFF00  }
0x143: {  	s1 =	sadd.s32 $0x1, s1;
	s0 =	rddreg [dreg:$0x2]  }
0x144: {  	p0 =	sne.s32 s1, s0  }
.Ltmp3:
0x145: {  	_ = 	snop;
	(pc) =	sbr.rel @p0 .LBB2_1-.Ltmp3, $1  }
0x146: {  	_ =	sdelay $0x3  }
0x147: {  	_ =	sfence.sel $0x180000  }
0x148: {  	[bflag:$0x0] =	sbarrier.arrive $0xFFFF  }
0x149: {  	_ =	strace $0x90000047  }
0x14a: {  	s0 =	stileid.u32;
	[bflag:$0x2] =	sbarrier.arrive $0xFFFF  }
0x14b: {  	p0 =	sne.s32 s0, $0x0;
	s0 =	rddreg [dreg:$0x1]  }
0x14c: {  	s0 =	sadd.s32 @!p0 $0x100000, s0  }
0x14d: {  	[sflag:s0] =	ssyncadd.tile.s32 @!p0 $0x1;
	_ =	shalt  }
.Lfunc_end2:
_tile_overlayer_lowered:
.L_overlay_start_2:
0x14e: {  	(tag) =	ssettag $0x2  }
0x14f: {  	s0 =	rddreg [dreg:$0x0];
	s2 =	stileid.u32  }
0x150: {  	s1 =	rddreg [dreg:$0x1];
	p0 =	sne.s32 s2, $0x0  }
0x151: {  	s3 =	rddreg [dreg:$0x2];
	[bflag:$0x3] =	sbarrier.arrive $0xFFFF;
	s2 =	simm.s32 @!p0 $0x1C02  }
0x152: {  	[timem:s3], [sflag:s2] =	dma.local @!p0 [hbm:s0], s1  }
0x153: {  	s0 =	simm.s32 @!p0 $0x2  }
0x154: {  	_ =	swait.ge @!p0 [sflag:s0], s1  }
0x155: {  	s1 =	ssub.s32 @!p0 $0x0, s1;
	[sflag:s0] =	ssyncset.done @!p0 $0x0  }
0x156: {  	[sflag:s0] =	ssyncadd.s32 @!p0 s1  }
0x157: {  	[bflag:$0x3] =	sbarrier.arrive $0xFFFF  }
0x158: {  	_ =	shalt  }

</sc_bundles>
